<compile_context>
chip_gen: v7x
topology: tpu7x:2x2x1
jax: 0.10.2.dev20260603
libtpu: 0.0.44.dev20260713+nightly
codegen_flags: <defaults>
</compile_context>

<pallas_src>
import jax
import jax.numpy as jnp
from jax import lax
from jax.experimental import pallas as pl
from jax.experimental.pallas import tpu as pltpu
from jax.experimental.pallas import tpu_sc as plsc

_VOCAB = 100000
_D = 300
_B = 4096
_L = 200
_C = 2

_NC = 2
_NS = 16
_NW = _NC * _NS
_ROWS_W = _B // _NW
_GROUPS = _ROWS_W // 16
_KCH = _L // 8
_NCH = _GROUPS * _KCH
_CH = 128
_NSLOT = 8

_VBLK = 8192


def _proj_body(embT_ref, fcw_ref, fcb_ref, out_ref):
    p = lax.dot_general(fcw_ref[...], embT_ref[...], (((1,), (0,)), ((), ())),
                        preferred_element_type=jnp.float32)
    p = (p + fcb_ref[...]) * (1.0 / _L)
    u = lax.bitcast_convert_type(
        p.astype(jnp.bfloat16), jnp.uint16).astype(jnp.uint32)
    out_ref[...] = lax.bitcast_convert_type((u[0] << 16) | u[1], jnp.int32)


def _project(embT, fcw, fcb):
    return pl.pallas_call(
        _proj_body,
        grid=(pl.cdiv(_VOCAB, _VBLK),),
        in_specs=[
            pl.BlockSpec((_D, _VBLK), lambda i: (0, i)),
            pl.BlockSpec((_C, _D), lambda i: (0, 0)),
            pl.BlockSpec((_C, 1), lambda i: (0, 0)),
        ],
        out_specs=pl.BlockSpec((_VBLK,), lambda i: (i,)),
        out_shape=jax.ShapeDtypeStruct((_VOCAB,), jnp.int32),
    )(embT, fcw, fcb)


def _sc_body(p_hbm, idx_hbm, lane_hbm, out_hbm,
             idx_v, rows_v, lane_v, out_v, *sems):
    wid = lax.axis_index("s") * _NC + lax.axis_index("c")
    pltpu.sync_copy(idx_hbm.at[wid], idx_v)
    pltpu.sync_copy(lane_hbm, lane_v)

    lane16 = [lane_v[v] for v in range(8)]
    himask = lane_v[8]
    sh16 = lane_v[9]

    def _gather(j, s):
        return pltpu.make_async_copy(
            p_hbm.at[idx_v.at[j]], rows_v.at[s], sems[s])

    for s in range(_NSLOT):
        _gather(s, s).start()

    def _outer(j0, c):
        for s in range(_NSLOT):
            j = j0 * _NSLOT + s
            _gather(j, s).wait()
            row = rows_v.at[s]
            uv = plsc.load_gather(row, [lane16[0]])
            a0 = plsc.bitcast(uv & himask, jnp.float32)
            a1 = plsc.bitcast(lax.shift_left(uv, sh16), jnp.float32)
            for v in range(1, 8):
                uv = plsc.load_gather(row, [lane16[v]])
                a0 = a0 + plsc.bitcast(uv & himask, jnp.float32)
                a1 = a1 + plsc.bitcast(lax.shift_left(uv, sh16), jnp.float32)
            g = j // _KCH
            k = j - g * _KCH
            o0 = pl.ds(g * 16, 16)
            o1 = pl.ds(128 + g * 16, 16)

            @pl.when(k == 0)
            def _():
                out_v[o0] = a0
                out_v[o1] = a1

            @pl.when(k != 0)
            def _():
                out_v[o0] = out_v[o0] + a0
                out_v[o1] = out_v[o1] + a1

            @pl.when(j + _NSLOT < _NCH)
            def _():
                _gather(j + _NSLOT, s).start()
        return c

    lax.fori_loop(0, _NCH // _NSLOT, _outer, 0)
    pltpu.sync_copy(out_v, out_hbm.at[wid])


_lookup = pl.kernel(
    _sc_body,
    out_type=jax.ShapeDtypeStruct((_NW, _C * _ROWS_W), jnp.float32),
    mesh=plsc.VectorSubcoreMesh(core_axis_name="c", subcore_axis_name="s"),
    compiler_params=pltpu.CompilerParams(
        needs_layout_passes=False, use_tc_tiling_on_sc=False),
    scratch_types=[
        pltpu.VMEM((_NCH, _CH), jnp.int32),
        pltpu.VMEM((_NSLOT, _CH), jnp.int32),
        pltpu.VMEM((10, 16), jnp.int32),
        pltpu.VMEM((_C * _ROWS_W,), jnp.float32),
    ] + [pltpu.SemaphoreType.DMA] * _NSLOT,
)

_LANE_TAB = [[v * 16 + i for i in range(16)] for v in range(8)]
_LANE_TAB.append([-65536] * 16)
_LANE_TAB.append([16] * 16)


def kernel(text, emb_table, fc_w, fc_b):
    embT = emb_table.T
    ptab = _project(embT, fc_w.astype(jnp.float32),
                    fc_b.astype(jnp.float32).reshape(_C, 1))
    textT = text.astype(jnp.int32).T
    u = textT.reshape(_KCH, 8, _NW, _GROUPS, 16)
    idx = u.transpose(2, 3, 0, 1, 4).reshape(_NW, _NCH, _CH)
    lane_tab = jnp.asarray(_LANE_TAB, jnp.int32)
    out32 = _lookup(ptab, idx, lane_tab)
    return out32.reshape(_NW, _C, _ROWS_W).transpose(0, 2, 1).reshape(_B, _C)

# --- scband reference (transcript-rebuilt; emitter-appended) ---
"""Pipeline reference for scband-imdb-model-44324062495012 (READ-ONLY COPY).

The authoritative reference and input builder live on the scoring server;
editing this copy changes nothing except your own understanding.
"""

import jax, jax.numpy as jnp
import numpy as np

VOCAB = 100000
EMBED_DIM = 300
BATCH = 4096
SEQ = 200


def setup_inputs(seed: int = 0) -> dict:
    key = jax.random.key(seed)
    k1, k2, k3 = jax.random.split(key, 3)
    text = jax.random.randint(k1, (BATCH, SEQ), 0, VOCAB, dtype=jnp.int64 if jax.config.read('jax_enable_x64') else jnp.int32)
    # EmbeddingBag weight: uniform(-0.5, 0.5) per init_weights
    emb_table = jax.random.uniform(k2, (VOCAB, EMBED_DIM), minval=-0.5, maxval=0.5, dtype=jnp.float32)
    fc_w = jax.random.uniform(k3, (2, EMBED_DIM), minval=-0.5, maxval=0.5, dtype=jnp.float32)
    fc_b = jnp.zeros((2,), dtype=jnp.float32)
    return {"text": text, "emb_table": emb_table, "fc_w": fc_w, "fc_b": fc_b}


def reference(text, emb_table, fc_w, fc_b):
    # nn.EmbeddingBag with 2D input and default mode='mean':
    # each row of text is one bag; gather then mean over the sequence axis.
    gathered = jnp.take(emb_table, text, axis=0)  # [B, L, 300]
    embedded = jnp.mean(gathered, axis=1)         # [B, 300]
    # fc layer
    out = embedded @ fc_w.T + fc_b                # [B, 2]
    # Dropout is identity in eval mode.
    return out

if __name__ == "__main__":
    import jax
    _d = setup_inputs()
    print(jax.jit(kernel)(*tuple(_d.values())))

</pallas_src>

<mosaic_0001>
#map = affine_map<(d0, d1) -> (0)>
#map1 = affine_map<(d0, d1) -> (0, 0, 0)>
#map2 = affine_map<(d0, d1) -> (0, 0)>
module attributes {stable_mosaic.version = 14 : i64} {
  func.func @_sc_body(%arg0: i32, %arg1: i32, %arg2: memref<100000xi32, #tpu.memory_space<hbm>>, %arg3: memref<32x200x128xi32, #tpu.memory_space<hbm>>, %arg4: memref<10x16xi32, #tpu.memory_space<hbm>>, %arg5: memref<32x256xf32, #tpu.memory_space<hbm>>, %arg6: memref<200x128xi32, #tpu.memory_space<vmem>>, %arg7: memref<8x128xi32, #tpu.memory_space<vmem>>, %arg8: memref<10x16xi32, #tpu.memory_space<vmem>>, %arg9: memref<256xf32, #tpu.memory_space<vmem>>, %arg10: memref<!tpu.dma_semaphore, #tpu.memory_space<semaphore_mem>>, %arg11: memref<!tpu.dma_semaphore, #tpu.memory_space<semaphore_mem>>, %arg12: memref<!tpu.dma_semaphore, #tpu.memory_space<semaphore_mem>>, %arg13: memref<!tpu.dma_semaphore, #tpu.memory_space<semaphore_mem>>, %arg14: memref<!tpu.dma_semaphore, #tpu.memory_space<semaphore_mem>>, %arg15: memref<!tpu.dma_semaphore, #tpu.memory_space<semaphore_mem>>, %arg16: memref<!tpu.dma_semaphore, #tpu.memory_space<semaphore_mem>>, %arg17: memref<!tpu.dma_semaphore, #tpu.memory_space<semaphore_mem>>) attributes {dimension_semantics = [#tpu.dimension_semantics<core_parallel>, #tpu.dimension_semantics<subcore_parallel>], iteration_bounds = array<i64: 2, 16>, scalar_prefetch = 0 : i64, scratch_operands = 12 : i64, tpu.core_type = #tpu.core_type<sc_vector_subcore>, window_params = [{transform_indices = #map}, {transform_indices = #map1}, {transform_indices = #map2}, {transform_indices = #map2}]} {
    %mul3A = arith.constant 2 : i32
    %mul3A_0 = arith.muli %arg1, %mul3A : i32
    %add3A = arith.addi %mul3A_0, %arg0 : i32
    "tpu.region"() ({
      %run_scoped3A = tpu.sem_alloc : memref<!tpu.dma_semaphore, #tpu.memory_space<semaphore_mem>>
      %dma_start3A_124 = arith.constant 0 : i32
      %dma_start3A_125 = arith.constant 0 : i32
      %dma_start3A_126 = tpu.memref_slice %arg3[%add3A, %dma_start3A_124, %dma_start3A_125] : memref<32x200x128xi32, #tpu.memory_space<hbm>> -> memref<1x200x128xi32, #tpu.memory_space<hbm>>
      %dma_start3A_127 = tpu.memref_squeeze %dma_start3A_126 : memref<1x200x128xi32, #tpu.memory_space<hbm>> -> memref<200x128xi32, #tpu.memory_space<hbm>>
      %dma_start3A_128 = arith.constant 0 : i32
      %dma_start3A_129 = arith.constant 0 : i32
      %dma_start3A_130 = tpu.memref_slice %arg3[%add3A, %dma_start3A_128, %dma_start3A_129] : memref<32x200x128xi32, #tpu.memory_space<hbm>> -> memref<1x200x128xi32, #tpu.memory_space<hbm>>
      %dma_start3A_131 = tpu.memref_squeeze %dma_start3A_130 : memref<1x200x128xi32, #tpu.memory_space<hbm>> -> memref<200x128xi32, #tpu.memory_space<hbm>>
      tpu.enqueue_dma source(%dma_start3A_131 : memref<200x128xi32, #tpu.memory_space<hbm>>) target(%arg6 : memref<200x128xi32, #tpu.memory_space<vmem>>) target_semaphore(%run_scoped3A : memref<!tpu.dma_semaphore, #tpu.memory_space<semaphore_mem>>)
      %dma_wait3A = arith.constant 0 : i32
      %dma_wait3A_132 = arith.constant 0 : i32
      %dma_wait3A_133 = tpu.memref_slice %arg3[%add3A, %dma_wait3A, %dma_wait3A_132] : memref<32x200x128xi32, #tpu.memory_space<hbm>> -> memref<1x200x128xi32, #tpu.memory_space<hbm>>
      %dma_wait3A_134 = tpu.memref_squeeze %dma_wait3A_133 : memref<1x200x128xi32, #tpu.memory_space<hbm>> -> memref<200x128xi32, #tpu.memory_space<hbm>>
      %dma_wait3A_135 = arith.constant 0 : i32
      %dma_wait3A_136 = arith.constant 0 : i32
      %dma_wait3A_137 = tpu.memref_slice %arg3[%add3A, %dma_wait3A_135, %dma_wait3A_136] : memref<32x200x128xi32, #tpu.memory_space<hbm>> -> memref<1x200x128xi32, #tpu.memory_space<hbm>>
      %dma_wait3A_138 = tpu.memref_squeeze %dma_wait3A_137 : memref<1x200x128xi32, #tpu.memory_space<hbm>> -> memref<200x128xi32, #tpu.memory_space<hbm>>
      tpu.wait_dma2 semaphore(%run_scoped3A : memref<!tpu.dma_semaphore, #tpu.memory_space<semaphore_mem>>) src(%dma_wait3A_138 : memref<200x128xi32, #tpu.memory_space<hbm>>) dst(%arg6 : memref<200x128xi32, #tpu.memory_space<vmem>>)
      tpu.yield
    }) : () -> ()
    "tpu.region"() ({
      %run_scoped3A = tpu.sem_alloc : memref<!tpu.dma_semaphore, #tpu.memory_space<semaphore_mem>>
      tpu.enqueue_dma source(%arg4 : memref<10x16xi32, #tpu.memory_space<hbm>>) target(%arg8 : memref<10x16xi32, #tpu.memory_space<vmem>>) target_semaphore(%run_scoped3A : memref<!tpu.dma_semaphore, #tpu.memory_space<semaphore_mem>>)
      tpu.wait_dma2 semaphore(%run_scoped3A : memref<!tpu.dma_semaphore, #tpu.memory_space<semaphore_mem>>) src(%arg4 : memref<10x16xi32, #tpu.memory_space<hbm>>) dst(%arg8 : memref<10x16xi32, #tpu.memory_space<vmem>>)
      tpu.yield
    }) : () -> ()
    %get3A = arith.constant 0 : i32
    %get3A_1 = arith.index_cast %get3A : i32 to index
    %get3A_2 = arith.constant 0 : index
    %get3A_3 = tpu.vector_load %arg8[%get3A_1, %get3A_2] {strides = array<i32>} : memref<10x16xi32, #tpu.memory_space<vmem>>, vector<16xi32>,
    %get3A_4 = arith.constant 1 : i32
    %get3A_5 = arith.index_cast %get3A_4 : i32 to index
    %get3A_6 = arith.constant 0 : index
    %get3A_7 = tpu.vector_load %arg8[%get3A_5, %get3A_6] {strides = array<i32>} : memref<10x16xi32, #tpu.memory_space<vmem>>, vector<16xi32>,
    %get3A_8 = arith.constant 2 : i32
    %get3A_9 = arith.index_cast %get3A_8 : i32 to index
    %get3A_10 = arith.constant 0 : index
    %get3A_11 = tpu.vector_load %arg8[%get3A_9, %get3A_10] {strides = array<i32>} : memref<10x16xi32, #tpu.memory_space<vmem>>, vector<16xi32>,
    %get3A_12 = arith.constant 3 : i32
    %get3A_13 = arith.index_cast %get3A_12 : i32 to index
    %get3A_14 = arith.constant 0 : index
    %get3A_15 = tpu.vector_load %arg8[%get3A_13, %get3A_14] {strides = array<i32>} : memref<10x16xi32, #tpu.memory_space<vmem>>, vector<16xi32>,
    %get3A_16 = arith.constant 4 : i32
    %get3A_17 = arith.index_cast %get3A_16 : i32 to index
    %get3A_18 = arith.constant 0 : index
    %get3A_19 = tpu.vector_load %arg8[%get3A_17, %get3A_18] {strides = array<i32>} : memref<10x16xi32, #tpu.memory_space<vmem>>, vector<16xi32>,
    %get3A_20 = arith.constant 5 : i32
    %get3A_21 = arith.index_cast %get3A_20 : i32 to index
    %get3A_22 = arith.constant 0 : index
    %get3A_23 = tpu.vector_load %arg8[%get3A_21, %get3A_22] {strides = array<i32>} : memref<10x16xi32, #tpu.memory_space<vmem>>, vector<16xi32>,
    %get3A_24 = arith.constant 6 : i32
    %get3A_25 = arith.index_cast %get3A_24 : i32 to index
    %get3A_26 = arith.constant 0 : index
    %get3A_27 = tpu.vector_load %arg8[%get3A_25, %get3A_26] {strides = array<i32>} : memref<10x16xi32, #tpu.memory_space<vmem>>, vector<16xi32>,
    %get3A_28 = arith.constant 7 : i32
    %get3A_29 = arith.index_cast %get3A_28 : i32 to index
    %get3A_30 = arith.constant 0 : index
    %get3A_31 = tpu.vector_load %arg8[%get3A_29, %get3A_30] {strides = array<i32>} : memref<10x16xi32, #tpu.memory_space<vmem>>, vector<16xi32>,
    %get3A_32 = arith.constant 8 : i32
    %get3A_33 = arith.index_cast %get3A_32 : i32 to index
    %get3A_34 = arith.constant 0 : index
    %get3A_35 = tpu.vector_load %arg8[%get3A_33, %get3A_34] {strides = array<i32>} : memref<10x16xi32, #tpu.memory_space<vmem>>, vector<16xi32>,
    %get3A_36 = arith.constant 9 : i32
    %get3A_37 = arith.index_cast %get3A_36 : i32 to index
    %get3A_38 = arith.constant 0 : index
    %get3A_39 = tpu.vector_load %arg8[%get3A_37, %get3A_38] {strides = array<i32>} : memref<10x16xi32, #tpu.memory_space<vmem>>, vector<16xi32>,
    %dma_start3A = arith.constant 0 : i32
    %dma_start3A_40 = arith.constant 0 : i32
    %dma_start3A_41 = arith.constant 0 : i32
    %dma_start3A_42 = tpu.memref_slice %arg7[%dma_start3A_40, %dma_start3A_41] : memref<8x128xi32, #tpu.memory_space<vmem>> -> memref<1x128xi32, #tpu.memory_space<vmem>>
    %dma_start3A_43 = tpu.memref_squeeze %dma_start3A_42 : memref<1x128xi32, #tpu.memory_space<vmem>> -> memref<128xi32, #tpu.memory_space<vmem>>
    %dma_start3A_44 = arith.constant 0 : i32
    %dma_start3A_45 = tpu.memref_slice %arg6[%dma_start3A, %dma_start3A_44] : memref<200x128xi32, #tpu.memory_space<vmem>> -> memref<1x128xi32, #tpu.memory_space<vmem>>
    %dma_start3A_46 = tpu.memref_squeeze %dma_start3A_45 : memref<1x128xi32, #tpu.memory_space<vmem>> -> memref<128xi32, #tpu.memory_space<vmem>>
    %dma_start3A_47 = arith.constant 0 : i32
    %dma_start3A_48 = tpu.memref_slice %arg2[%dma_start3A_47] : memref<100000xi32, #tpu.memory_space<hbm>> -> memref<100000xi32, #tpu.memory_space<hbm>>
    tpu.enqueue_indirect_dma source(%dma_start3A_48 : memref<100000xi32, #tpu.memory_space<hbm>>) target(%dma_start3A_43 : memref<128xi32, #tpu.memory_space<vmem>>) offsets(%dma_start3A_46 : memref<128xi32, #tpu.memory_space<vmem>>) semaphore(%arg10 : memref<!tpu.dma_semaphore, #tpu.memory_space<semaphore_mem>>)
    %dma_start3A_49 = arith.constant 1 : i32
    %dma_start3A_50 = arith.constant 1 : i32
    %dma_start3A_51 = arith.constant 0 : i32
    %dma_start3A_52 = tpu.memref_slice %arg7[%dma_start3A_50, %dma_start3A_51] : memref<8x128xi32, #tpu.memory_space<vmem>> -> memref<1x128xi32, #tpu.memory_space<vmem>>
    %dma_start3A_53 = tpu.memref_squeeze %dma_start3A_52 : memref<1x128xi32, #tpu.memory_space<vmem>> -> memref<128xi32, #tpu.memory_space<vmem>>
    %dma_start3A_54 = arith.constant 0 : i32
    %dma_start3A_55 = tpu.memref_slice %arg6[%dma_start3A_49, %dma_start3A_54] : memref<200x128xi32, #tpu.memory_space<vmem>> -> memref<1x128xi32, #tpu.memory_space<vmem>>
    %dma_start3A_56 = tpu.memref_squeeze %dma_start3A_55 : memref<1x128xi32, #tpu.memory_space<vmem>> -> memref<128xi32, #tpu.memory_space<vmem>>
    %dma_start3A_57 = arith.constant 0 : i32
    %dma_start3A_58 = tpu.memref_slice %arg2[%dma_start3A_57] : memref<100000xi32, #tpu.memory_space<hbm>> -> memref<100000xi32, #tpu.memory_space<hbm>>
    tpu.enqueue_indirect_dma source(%dma_start3A_58 : memref<100000xi32, #tpu.memory_space<hbm>>) target(%dma_start3A_53 : memref<128xi32, #tpu.memory_space<vmem>>) offsets(%dma_start3A_56 : memref<128xi32, #tpu.memory_space<vmem>>) semaphore(%arg11 : memref<!tpu.dma_semaphore, #tpu.memory_space<semaphore_mem>>)
    %dma_start3A_59 = arith.constant 2 : i32
    %dma_start3A_60 = arith.constant 2 : i32
    %dma_start3A_61 = arith.constant 0 : i32
    %dma_start3A_62 = tpu.memref_slice %arg7[%dma_start3A_60, %dma_start3A_61] : memref<8x128xi32, #tpu.memory_space<vmem>> -> memref<1x128xi32, #tpu.memory_space<vmem>>
    %dma_start3A_63 = tpu.memref_squeeze %dma_start3A_62 : memref<1x128xi32, #tpu.memory_space<vmem>> -> memref<128xi32, #tpu.memory_space<vmem>>
    %dma_start3A_64 = arith.constant 0 : i32
    %dma_start3A_65 = tpu.memref_slice %arg6[%dma_start3A_59, %dma_start3A_64] : memref<200x128xi32, #tpu.memory_space<vmem>> -> memref<1x128xi32, #tpu.memory_space<vmem>>
    %dma_start3A_66 = tpu.memref_squeeze %dma_start3A_65 : memref<1x128xi32, #tpu.memory_space<vmem>> -> memref<128xi32, #tpu.memory_space<vmem>>
    %dma_start3A_67 = arith.constant 0 : i32
    %dma_start3A_68 = tpu.memref_slice %arg2[%dma_start3A_67] : memref<100000xi32, #tpu.memory_space<hbm>> -> memref<100000xi32, #tpu.memory_space<hbm>>
    tpu.enqueue_indirect_dma source(%dma_start3A_68 : memref<100000xi32, #tpu.memory_space<hbm>>) target(%dma_start3A_63 : memref<128xi32, #tpu.memory_space<vmem>>) offsets(%dma_start3A_66 : memref<128xi32, #tpu.memory_space<vmem>>) semaphore(%arg12 : memref<!tpu.dma_semaphore, #tpu.memory_space<semaphore_mem>>)
    %dma_start3A_69 = arith.constant 3 : i32
    %dma_start3A_70 = arith.constant 3 : i32
    %dma_start3A_71 = arith.constant 0 : i32
    %dma_start3A_72 = tpu.memref_slice %arg7[%dma_start3A_70, %dma_start3A_71] : memref<8x128xi32, #tpu.memory_space<vmem>> -> memref<1x128xi32, #tpu.memory_space<vmem>>
    %dma_start3A_73 = tpu.memref_squeeze %dma_start3A_72 : memref<1x128xi32, #tpu.memory_space<vmem>> -> memref<128xi32, #tpu.memory_space<vmem>>
    %dma_start3A_74 = arith.constant 0 : i32
    %dma_start3A_75 = tpu.memref_slice %arg6[%dma_start3A_69, %dma_start3A_74] : memref<200x128xi32, #tpu.memory_space<vmem>> -> memref<1x128xi32, #tpu.memory_space<vmem>>
    %dma_start3A_76 = tpu.memref_squeeze %dma_start3A_75 : memref<1x128xi32, #tpu.memory_space<vmem>> -> memref<128xi32, #tpu.memory_space<vmem>>
    %dma_start3A_77 = arith.constant 0 : i32
    %dma_start3A_78 = tpu.memref_slice %arg2[%dma_start3A_77] : memref<100000xi32, #tpu.memory_space<hbm>> -> memref<100000xi32, #tpu.memory_space<hbm>>
    tpu.enqueue_indirect_dma source(%dma_start3A_78 : memref<100000xi32, #tpu.memory_space<hbm>>) target(%dma_start3A_73 : memref<128xi32, #tpu.memory_space<vmem>>) offsets(%dma_start3A_76 : memref<128xi32, #tpu.memory_space<vmem>>) semaphore(%arg13 : memref<!tpu.dma_semaphore, #tpu.memory_space<semaphore_mem>>)
    %dma_start3A_79 = arith.constant 4 : i32
    %dma_start3A_80 = arith.constant 4 : i32
    %dma_start3A_81 = arith.constant 0 : i32
    %dma_start3A_82 = tpu.memref_slice %arg7[%dma_start3A_80, %dma_start3A_81] : memref<8x128xi32, #tpu.memory_space<vmem>> -> memref<1x128xi32, #tpu.memory_space<vmem>>
    %dma_start3A_83 = tpu.memref_squeeze %dma_start3A_82 : memref<1x128xi32, #tpu.memory_space<vmem>> -> memref<128xi32, #tpu.memory_space<vmem>>
    %dma_start3A_84 = arith.constant 0 : i32
    %dma_start3A_85 = tpu.memref_slice %arg6[%dma_start3A_79, %dma_start3A_84] : memref<200x128xi32, #tpu.memory_space<vmem>> -> memref<1x128xi32, #tpu.memory_space<vmem>>
    %dma_start3A_86 = tpu.memref_squeeze %dma_start3A_85 : memref<1x128xi32, #tpu.memory_space<vmem>> -> memref<128xi32, #tpu.memory_space<vmem>>
    %dma_start3A_87 = arith.constant 0 : i32
    %dma_start3A_88 = tpu.memref_slice %arg2[%dma_start3A_87] : memref<100000xi32, #tpu.memory_space<hbm>> -> memref<100000xi32, #tpu.memory_space<hbm>>
    tpu.enqueue_indirect_dma source(%dma_start3A_88 : memref<100000xi32, #tpu.memory_space<hbm>>) target(%dma_start3A_83 : memref<128xi32, #tpu.memory_space<vmem>>) offsets(%dma_start3A_86 : memref<128xi32, #tpu.memory_space<vmem>>) semaphore(%arg14 : memref<!tpu.dma_semaphore, #tpu.memory_space<semaphore_mem>>)
    %dma_start3A_89 = arith.constant 5 : i32
    %dma_start3A_90 = arith.constant 5 : i32
    %dma_start3A_91 = arith.constant 0 : i32
    %dma_start3A_92 = tpu.memref_slice %arg7[%dma_start3A_90, %dma_start3A_91] : memref<8x128xi32, #tpu.memory_space<vmem>> -> memref<1x128xi32, #tpu.memory_space<vmem>>
    %dma_start3A_93 = tpu.memref_squeeze %dma_start3A_92 : memref<1x128xi32, #tpu.memory_space<vmem>> -> memref<128xi32, #tpu.memory_space<vmem>>
    %dma_start3A_94 = arith.constant 0 : i32
    %dma_start3A_95 = tpu.memref_slice %arg6[%dma_start3A_89, %dma_start3A_94] : memref<200x128xi32, #tpu.memory_space<vmem>> -> memref<1x128xi32, #tpu.memory_space<vmem>>
    %dma_start3A_96 = tpu.memref_squeeze %dma_start3A_95 : memref<1x128xi32, #tpu.memory_space<vmem>> -> memref<128xi32, #tpu.memory_space<vmem>>
    %dma_start3A_97 = arith.constant 0 : i32
    %dma_start3A_98 = tpu.memref_slice %arg2[%dma_start3A_97] : memref<100000xi32, #tpu.memory_space<hbm>> -> memref<100000xi32, #tpu.memory_space<hbm>>
    tpu.enqueue_indirect_dma source(%dma_start3A_98 : memref<100000xi32, #tpu.memory_space<hbm>>) target(%dma_start3A_93 : memref<128xi32, #tpu.memory_space<vmem>>) offsets(%dma_start3A_96 : memref<128xi32, #tpu.memory_space<vmem>>) semaphore(%arg15 : memref<!tpu.dma_semaphore, #tpu.memory_space<semaphore_mem>>)
    %dma_start3A_99 = arith.constant 6 : i32
    %dma_start3A_100 = arith.constant 6 : i32
    %dma_start3A_101 = arith.constant 0 : i32
    %dma_start3A_102 = tpu.memref_slice %arg7[%dma_start3A_100, %dma_start3A_101] : memref<8x128xi32, #tpu.memory_space<vmem>> -> memref<1x128xi32, #tpu.memory_space<vmem>>
    %dma_start3A_103 = tpu.memref_squeeze %dma_start3A_102 : memref<1x128xi32, #tpu.memory_space<vmem>> -> memref<128xi32, #tpu.memory_space<vmem>>
    %dma_start3A_104 = arith.constant 0 : i32
    %dma_start3A_105 = tpu.memref_slice %arg6[%dma_start3A_99, %dma_start3A_104] : memref<200x128xi32, #tpu.memory_space<vmem>> -> memref<1x128xi32, #tpu.memory_space<vmem>>
    %dma_start3A_106 = tpu.memref_squeeze %dma_start3A_105 : memref<1x128xi32, #tpu.memory_space<vmem>> -> memref<128xi32, #tpu.memory_space<vmem>>
    %dma_start3A_107 = arith.constant 0 : i32
    %dma_start3A_108 = tpu.memref_slice %arg2[%dma_start3A_107] : memref<100000xi32, #tpu.memory_space<hbm>> -> memref<100000xi32, #tpu.memory_space<hbm>>
    tpu.enqueue_indirect_dma source(%dma_start3A_108 : memref<100000xi32, #tpu.memory_space<hbm>>) target(%dma_start3A_103 : memref<128xi32, #tpu.memory_space<vmem>>) offsets(%dma_start3A_106 : memref<128xi32, #tpu.memory_space<vmem>>) semaphore(%arg16 : memref<!tpu.dma_semaphore, #tpu.memory_space<semaphore_mem>>)
    %dma_start3A_109 = arith.constant 7 : i32
    %dma_start3A_110 = arith.constant 7 : i32
    %dma_start3A_111 = arith.constant 0 : i32
    %dma_start3A_112 = tpu.memref_slice %arg7[%dma_start3A_110, %dma_start3A_111] : memref<8x128xi32, #tpu.memory_space<vmem>> -> memref<1x128xi32, #tpu.memory_space<vmem>>
    %dma_start3A_113 = tpu.memref_squeeze %dma_start3A_112 : memref<1x128xi32, #tpu.memory_space<vmem>> -> memref<128xi32, #tpu.memory_space<vmem>>
    %dma_start3A_114 = arith.constant 0 : i32
    %dma_start3A_115 = tpu.memref_slice %arg6[%dma_start3A_109, %dma_start3A_114] : memref<200x128xi32, #tpu.memory_space<vmem>> -> memref<1x128xi32, #tpu.memory_space<vmem>>
    %dma_start3A_116 = tpu.memref_squeeze %dma_start3A_115 : memref<1x128xi32, #tpu.memory_space<vmem>> -> memref<128xi32, #tpu.memory_space<vmem>>
    %dma_start3A_117 = arith.constant 0 : i32
    %dma_start3A_118 = tpu.memref_slice %arg2[%dma_start3A_117] : memref<100000xi32, #tpu.memory_space<hbm>> -> memref<100000xi32, #tpu.memory_space<hbm>>
    tpu.enqueue_indirect_dma source(%dma_start3A_118 : memref<100000xi32, #tpu.memory_space<hbm>>) target(%dma_start3A_113 : memref<128xi32, #tpu.memory_space<vmem>>) offsets(%dma_start3A_116 : memref<128xi32, #tpu.memory_space<vmem>>) semaphore(%arg17 : memref<!tpu.dma_semaphore, #tpu.memory_space<semaphore_mem>>)
    %scan3A = arith.constant 0 : i32
    %scan3A_119 = arith.constant 0 : i32
    %scan3A_120 = arith.constant 25 : i32
    %scan3A_121 = arith.addi %scan3A_119, %scan3A_120 : i32
    %scan3A_122 = arith.constant 1 : i32
    scf.for %scan3A_124 = %scan3A_119 to %scan3A_121 step %scan3A_122  : i32 {
      %mul3A_125 = arith.constant 8 : i32
      %mul3A_126 = arith.muli %scan3A_124, %mul3A_125 : i32
      %add3A_127 = arith.constant 0 : i32
      %add3A_128 = arith.addi %mul3A_126, %add3A_127 : i32
      %dma_wait3A = arith.constant 0 : i32
      %dma_wait3A_129 = arith.constant 0 : i32
      %dma_wait3A_130 = tpu.memref_slice %arg7[%dma_wait3A, %dma_wait3A_129] : memref<8x128xi32, #tpu.memory_space<vmem>> -> memref<1x128xi32, #tpu.memory_space<vmem>>
      %dma_wait3A_131 = tpu.memref_squeeze %dma_wait3A_130 : memref<1x128xi32, #tpu.memory_space<vmem>> -> memref<128xi32, #tpu.memory_space<vmem>>
      %dma_wait3A_132 = arith.constant 0 : i32
      %dma_wait3A_133 = tpu.memref_slice %arg6[%add3A_128, %dma_wait3A_132] : memref<200x128xi32, #tpu.memory_space<vmem>> -> memref<1x128xi32, #tpu.memory_space<vmem>>
      %dma_wait3A_134 = tpu.memref_squeeze %dma_wait3A_133 : memref<1x128xi32, #tpu.memory_space<vmem>> -> memref<128xi32, #tpu.memory_space<vmem>>
      %dma_wait3A_135 = arith.constant 0 : i32
      %dma_wait3A_136 = tpu.memref_slice %arg2[%dma_wait3A_135] : memref<100000xi32, #tpu.memory_space<hbm>> -> memref<100000xi32, #tpu.memory_space<hbm>>
      tpu.wait_indirect_dma semaphore(%arg10 : memref<!tpu.dma_semaphore, #tpu.memory_space<semaphore_mem>>) src(%dma_wait3A_136 : memref<100000xi32, #tpu.memory_space<hbm>>) dst(%dma_wait3A_131 : memref<128xi32, #tpu.memory_space<vmem>>)
      %gather3A = arith.constant 0 : i32
      %gather3A_137 = arith.constant 0 : i32
      %gather3A_138 = tpu.memref_slice %arg7[%gather3A, %gather3A_137] : memref<8x128xi32, #tpu.memory_space<vmem>> -> memref<1x128xi32, #tpu.memory_space<vmem>>
      %gather3A_139 = tpu.memref_squeeze %gather3A_138 : memref<1x128xi32, #tpu.memory_space<vmem>> -> memref<128xi32, #tpu.memory_space<vmem>>
      %gather3A_140 = tpu.vector_load_idx %gather3A_139[%get3A_3] : memref<128xi32, #tpu.memory_space<vmem>>[vector<16xi32>], vector<16xi32>,
      %and3A = arith.andi %gather3A_140, %get3A_35 : vector<16xi32>
      %bitcast3A = vector.bitcast %and3A : vector<16xi32> to vector<16xf32>
      %shift_left3A = arith.shli %gather3A_140, %get3A_39 : vector<16xi32>
      %bitcast3A_141 = vector.bitcast %shift_left3A : vector<16xi32> to vector<16xf32>
      %gather3A_142 = arith.constant 0 : i32
      %gather3A_143 = arith.constant 0 : i32
      %gather3A_144 = tpu.memref_slice %arg7[%gather3A_142, %gather3A_143] : memref<8x128xi32, #tpu.memory_space<vmem>> -> memref<1x128xi32, #tpu.memory_space<vmem>>
      %gather3A_145 = tpu.memref_squeeze %gather3A_144 : memref<1x128xi32, #tpu.memory_space<vmem>> -> memref<128xi32, #tpu.memory_space<vmem>>
      %gather3A_146 = tpu.vector_load_idx %gather3A_145[%get3A_7] : memref<128xi32, #tpu.memory_space<vmem>>[vector<16xi32>], vector<16xi32>,
      %and3A_147 = arith.andi %gather3A_146, %get3A_35 : vector<16xi32>
      %bitcast3A_148 = vector.bitcast %and3A_147 : vector<16xi32> to vector<16xf32>
      %add3A_149 = arith.addf %bitcast3A, %bitcast3A_148 : vector<16xf32>
      %shift_left3A_150 = arith.shli %gather3A_146, %get3A_39 : vector<16xi32>
      %bitcast3A_151 = vector.bitcast %shift_left3A_150 : vector<16xi32> to vector<16xf32>
      %add3A_152 = arith.addf %bitcast3A_141, %bitcast3A_151 : vector<16xf32>
      %gather3A_153 = arith.constant 0 : i32
      %gather3A_154 = arith.constant 0 : i32
      %gather3A_155 = tpu.memref_slice %arg7[%gather3A_153, %gather3A_154] : memref<8x128xi32, #tpu.memory_space<vmem>> -> memref<1x128xi32, #tpu.memory_space<vmem>>
      %gather3A_156 = tpu.memref_squeeze %gather3A_155 : memref<1x128xi32, #tpu.memory_space<vmem>> -> memref<128xi32, #tpu.memory_space<vmem>>
      %gather3A_157 = tpu.vector_load_idx %gather3A_156[%get3A_11] : memref<128xi32, #tpu.memory_space<vmem>>[vector<16xi32>], vector<16xi32>,
      %and3A_158 = arith.andi %gather3A_157, %get3A_35 : vector<16xi32>
      %bitcast3A_159 = vector.bitcast %and3A_158 : vector<16xi32> to vector<16xf32>
      %add3A_160 = arith.addf %add3A_149, %bitcast3A_159 : vector<16xf32>
      %shift_left3A_161 = arith.shli %gather3A_157, %get3A_39 : vector<16xi32>
      %bitcast3A_162 = vector.bitcast %shift_left3A_161 : vector<16xi32> to vector<16xf32>
      %add3A_163 = arith.addf %add3A_152, %bitcast3A_162 : vector<16xf32>
      %gather3A_164 = arith.constant 0 : i32
      %gather3A_165 = arith.constant 0 : i32
      %gather3A_166 = tpu.memref_slice %arg7[%gather3A_164, %gather3A_165] : memref<8x128xi32, #tpu.memory_space<vmem>> -> memref<1x128xi32, #tpu.memory_space<vmem>>
      %gather3A_167 = tpu.memref_squeeze %gather3A_166 : memref<1x128xi32, #tpu.memory_space<vmem>> -> memref<128xi32, #tpu.memory_space<vmem>>
      %gather3A_168 = tpu.vector_load_idx %gather3A_167[%get3A_15] : memref<128xi32, #tpu.memory_space<vmem>>[vector<16xi32>], vector<16xi32>,
      %and3A_169 = arith.andi %gather3A_168, %get3A_35 : vector<16xi32>
      %bitcast3A_170 = vector.bitcast %and3A_169 : vector<16xi32> to vector<16xf32>
      %add3A_171 = arith.addf %add3A_160, %bitcast3A_170 : vector<16xf32>
      %shift_left3A_172 = arith.shli %gather3A_168, %get3A_39 : vector<16xi32>
      %bitcast3A_173 = vector.bitcast %shift_left3A_172 : vector<16xi32> to vector<16xf32>
      %add3A_174 = arith.addf %add3A_163, %bitcast3A_173 : vector<16xf32>
      %gather3A_175 = arith.constant 0 : i32
      %gather3A_176 = arith.constant 0 : i32
      %gather3A_177 = tpu.memref_slice %arg7[%gather3A_175, %gather3A_176] : memref<8x128xi32, #tpu.memory_space<vmem>> -> memref<1x128xi32, #tpu.memory_space<vmem>>
      %gather3A_178 = tpu.memref_squeeze %gather3A_177 : memref<1x128xi32, #tpu.memory_space<vmem>> -> memref<128xi32, #tpu.memory_space<vmem>>
      %gather3A_179 = tpu.vector_load_idx %gather3A_178[%get3A_19] : memref<128xi32, #tpu.memory_space<vmem>>[vector<16xi32>], vector<16xi32>,
      %and3A_180 = arith.andi %gather3A_179, %get3A_35 : vector<16xi32>
      %bitcast3A_181 = vector.bitcast %and3A_180 : vector<16xi32> to vector<16xf32>
      %add3A_182 = arith.addf %add3A_171, %bitcast3A_181 : vector<16xf32>
      %shift_left3A_183 = arith.shli %gather3A_179, %get3A_39 : vector<16xi32>
      %bitcast3A_184 = vector.bitcast %shift_left3A_183 : vector<16xi32> to vector<16xf32>
      %add3A_185 = arith.addf %add3A_174, %bitcast3A_184 : vector<16xf32>
      %gather3A_186 = arith.constant 0 : i32
      %gather3A_187 = arith.constant 0 : i32
      %gather3A_188 = tpu.memref_slice %arg7[%gather3A_186, %gather3A_187] : memref<8x128xi32, #tpu.memory_space<vmem>> -> memref<1x128xi32, #tpu.memory_space<vmem>>
      %gather3A_189 = tpu.memref_squeeze %gather3A_188 : memref<1x128xi32, #tpu.memory_space<vmem>> -> memref<128xi32, #tpu.memory_space<vmem>>
      %gather3A_190 = tpu.vector_load_idx %gather3A_189[%get3A_23] : memref<128xi32, #tpu.memory_space<vmem>>[vector<16xi32>], vector<16xi32>,
      %and3A_191 = arith.andi %gather3A_190, %get3A_35 : vector<16xi32>
      %bitcast3A_192 = vector.bitcast %and3A_191 : vector<16xi32> to vector<16xf32>
      %add3A_193 = arith.addf %add3A_182, %bitcast3A_192 : vector<16xf32>
      %shift_left3A_194 = arith.shli %gather3A_190, %get3A_39 : vector<16xi32>
      %bitcast3A_195 = vector.bitcast %shift_left3A_194 : vector<16xi32> to vector<16xf32>
      %add3A_196 = arith.addf %add3A_185, %bitcast3A_195 : vector<16xf32>
      %gather3A_197 = arith.constant 0 : i32
      %gather3A_198 = arith.constant 0 : i32
      %gather3A_199 = tpu.memref_slice %arg7[%gather3A_197, %gather3A_198] : memref<8x128xi32, #tpu.memory_space<vmem>> -> memref<1x128xi32, #tpu.memory_space<vmem>>
      %gather3A_200 = tpu.memref_squeeze %gather3A_199 : memref<1x128xi32, #tpu.memory_space<vmem>> -> memref<128xi32, #tpu.memory_space<vmem>>
      %gather3A_201 = tpu.vector_load_idx %gather3A_200[%get3A_27] : memref<128xi32, #tpu.memory_space<vmem>>[vector<16xi32>], vector<16xi32>,
      %and3A_202 = arith.andi %gather3A_201, %get3A_35 : vector<16xi32>
      %bitcast3A_203 = vector.bitcast %and3A_202 : vector<16xi32> to vector<16xf32>
      %add3A_204 = arith.addf %add3A_193, %bitcast3A_203 : vector<16xf32>
      %shift_left3A_205 = arith.shli %gather3A_201, %get3A_39 : vector<16xi32>
      %bitcast3A_206 = vector.bitcast %shift_left3A_205 : vector<16xi32> to vector<16xf32>
      %add3A_207 = arith.addf %add3A_196, %bitcast3A_206 : vector<16xf32>
      %gather3A_208 = arith.constant 0 : i32
      %gather3A_209 = arith.constant 0 : i32
      %gather3A_210 = tpu.memref_slice %arg7[%gather3A_208, %gather3A_209] : memref<8x128xi32, #tpu.memory_space<vmem>> -> memref<1x128xi32, #tpu.memory_space<vmem>>
      %gather3A_211 = tpu.memref_squeeze %gather3A_210 : memref<1x128xi32, #tpu.memory_space<vmem>> -> memref<128xi32, #tpu.memory_space<vmem>>
      %gather3A_212 = tpu.vector_load_idx %gather3A_211[%get3A_31] : memref<128xi32, #tpu.memory_space<vmem>>[vector<16xi32>], vector<16xi32>,
      %and3A_213 = arith.andi %gather3A_212, %get3A_35 : vector<16xi32>
      %bitcast3A_214 = vector.bitcast %and3A_213 : vector<16xi32> to vector<16xf32>
      %add3A_215 = arith.addf %add3A_204, %bitcast3A_214 : vector<16xf32>
      %shift_left3A_216 = arith.shli %gather3A_212, %get3A_39 : vector<16xi32>
      %bitcast3A_217 = vector.bitcast %shift_left3A_216 : vector<16xi32> to vector<16xf32>
      %add3A_218 = arith.addf %add3A_207, %bitcast3A_217 : vector<16xf32>
      %jit3A = arith.constant 25 : i32
      %div3A = arith.divsi %add3A_128, %jit3A : i32
      %sign3A = arith.constant 0 : i32
      %sign3A_219 = arith.cmpi sgt, %add3A_128, %sign3A : i32
      %sign3A_220 = arith.extui %sign3A_219 : i1 to i32
      %sign3A_221 = arith.constant 0 : i32
      %sign3A_222 = arith.cmpi slt, %add3A_128, %sign3A_221 : i32
      %sign3A_223 = arith.extui %sign3A_222 : i1 to i32
      %sign3A_224 = arith.subi %sign3A_220, %sign3A_223 : i32
      %sign3A_225 = arith.constant 0 : i32
      %sign3A_226 = arith.cmpi sgt, %jit3A, %sign3A_225 : i32
      %sign3A_227 = arith.extui %sign3A_226 : i1 to i32
      %sign3A_228 = arith.constant 0 : i32
      %sign3A_229 = arith.cmpi slt, %jit3A, %sign3A_228 : i32
      %sign3A_230 = arith.extui %sign3A_229 : i1 to i32
      %sign3A_231 = arith.subi %sign3A_227, %sign3A_230 : i32
      %ne3A = arith.cmpi ne, %sign3A_224, %sign3A_231 : i32
      %rem3A = arith.remsi %add3A_128, %jit3A : i32
      %ne3A_232 = arith.constant 0 : i32
      %ne3A_233 = arith.cmpi ne, %rem3A, %ne3A_232 : i32
      %and3A_234 = arith.andi %ne3A, %ne3A_233 : i1
      %sub3A = arith.constant 1 : i32
      %sub3A_235 = arith.subi %div3A, %sub3A : i32
      %select_n3A = arith.select %and3A_234, %sub3A_235, %div3A : i32
      %mul3A_236 = arith.constant 25 : i32
      %mul3A_237 = arith.muli %select_n3A, %mul3A_236 : i32
      %sub3A_238 = arith.subi %add3A_128, %mul3A_237 : i32
      %mul3A_239 = arith.constant 16 : i32
      %mul3A_240 = arith.muli %select_n3A, %mul3A_239 : i32
      %mul3A_241 = arith.constant 16 : i32
      %mul3A_242 = arith.muli %select_n3A, %mul3A_241 : i32
      %add3A_243 = arith.constant 128 : i32
      %add3A_244 = arith.addi %add3A_243, %mul3A_242 : i32
      %eq3A = arith.constant 0 : i32
      %eq3A_245 = arith.cmpi eq, %sub3A_238, %eq3A : i32
      %convert_element_type3A = arith.extui %eq3A_245 : i1 to i32
      %cond3A = arith.constant 0 : i32
      %cond3A_246 = arith.cmpi ne, %convert_element_type3A, %cond3A : i32
      scf.if %cond3A_246 {
        %swap3A = arith.index_cast %mul3A_240 : i32 to index
        %swap3A_1301 = tpu.vector_load %arg9[%swap3A] {strides = array<i32>} : memref<256xf32, #tpu.memory_space<vmem>>, vector<16xf32>,
        tpu.vector_store %arg9[%swap3A], %add3A_215 {strides = array<i32>} : memref<256xf32, #tpu.memory_space<vmem>>, vector<16xf32>,
        %swap3A_1302 = arith.index_cast %add3A_244 : i32 to index
        %swap3A_1303 = tpu.vector_load %arg9[%swap3A_1302] {strides = array<i32>} : memref<256xf32, #tpu.memory_space<vmem>>, vector<16xf32>,
        tpu.vector_store %arg9[%swap3A_1302], %add3A_218 {strides = array<i32>} : memref<256xf32, #tpu.memory_space<vmem>>, vector<16xf32>,
      } else {
      }
      %ne3A_247 = arith.constant 0 : i32
      %ne3A_248 = arith.cmpi ne, %sub3A_238, %ne3A_247 : i32
      %convert_element_type3A_249 = arith.extui %ne3A_248 : i1 to i32
      %cond3A_250 = arith.constant 0 : i32
      %cond3A_251 = arith.cmpi ne, %convert_element_type3A_249, %cond3A_250 : i32
      scf.if %cond3A_251 {
        %get3A_1301 = arith.index_cast %mul3A_240 : i32 to index
        %get3A_1302 = tpu.vector_load %arg9[%get3A_1301] {strides = array<i32>} : memref<256xf32, #tpu.memory_space<vmem>>, vector<16xf32>,
        %add3A_1303 = arith.addf %get3A_1302, %add3A_215 : vector<16xf32>
        %swap3A = arith.index_cast %mul3A_240 : i32 to index
        %swap3A_1304 = tpu.vector_load %arg9[%swap3A] {strides = array<i32>} : memref<256xf32, #tpu.memory_space<vmem>>, vector<16xf32>,
        tpu.vector_store %arg9[%swap3A], %add3A_1303 {strides = array<i32>} : memref<256xf32, #tpu.memory_space<vmem>>, vector<16xf32>,
        %get3A_1305 = arith.index_cast %add3A_244 : i32 to index
        %get3A_1306 = tpu.vector_load %arg9[%get3A_1305] {strides = array<i32>} : memref<256xf32, #tpu.memory_space<vmem>>, vector<16xf32>,
        %add3A_1307 = arith.addf %get3A_1306, %add3A_218 : vector<16xf32>
        %swap3A_1308 = arith.index_cast %add3A_244 : i32 to index
        %swap3A_1309 = tpu.vector_load %arg9[%swap3A_1308] {strides = array<i32>} : memref<256xf32, #tpu.memory_space<vmem>>, vector<16xf32>,
        tpu.vector_store %arg9[%swap3A_1308], %add3A_1307 {strides = array<i32>} : memref<256xf32, #tpu.memory_space<vmem>>, vector<16xf32>,
      } else {
      }
      %add3A_252 = arith.constant 8 : i32
      %add3A_253 = arith.addi %add3A_128, %add3A_252 : i32
      %lt3A = arith.constant 200 : i32
      %lt3A_254 = arith.cmpi slt, %add3A_253, %lt3A : i32
      %convert_element_type3A_255 = arith.extui %lt3A_254 : i1 to i32
      %cond3A_256 = arith.constant 0 : i32
      %cond3A_257 = arith.cmpi ne, %convert_element_type3A_255, %cond3A_256 : i32
      scf.if %cond3A_257 {
        %add3A_1301 = arith.constant 8 : i32
        %add3A_1302 = arith.addi %add3A_128, %add3A_1301 : i32
        %dma_start3A_1303 = arith.constant 0 : i32
        %dma_start3A_1304 = arith.constant 0 : i32
        %dma_start3A_1305 = tpu.memref_slice %arg7[%dma_start3A_1303, %dma_start3A_1304] : memref<8x128xi32, #tpu.memory_space<vmem>> -> memref<1x128xi32, #tpu.memory_space<vmem>>
        %dma_start3A_1306 = tpu.memref_squeeze %dma_start3A_1305 : memref<1x128xi32, #tpu.memory_space<vmem>> -> memref<128xi32, #tpu.memory_space<vmem>>
        %dma_start3A_1307 = arith.constant 0 : i32
        %dma_start3A_1308 = tpu.memref_slice %arg6[%add3A_1302, %dma_start3A_1307] : memref<200x128xi32, #tpu.memory_space<vmem>> -> memref<1x128xi32, #tpu.memory_space<vmem>>
        %dma_start3A_1309 = tpu.memref_squeeze %dma_start3A_1308 : memref<1x128xi32, #tpu.memory_space<vmem>> -> memref<128xi32, #tpu.memory_space<vmem>>
        %dma_start3A_1310 = arith.constant 0 : i32
        %dma_start3A_1311 = tpu.memref_slice %arg2[%dma_start3A_1310] : memref<100000xi32, #tpu.memory_space<hbm>> -> memref<100000xi32, #tpu.memory_space<hbm>>
        tpu.enqueue_indirect_dma source(%dma_start3A_1311 : memref<100000xi32, #tpu.memory_space<hbm>>) target(%dma_start3A_1306 : memref<128xi32, #tpu.memory_space<vmem>>) offsets(%dma_start3A_1309 : memref<128xi32, #tpu.memory_space<vmem>>) semaphore(%arg10 : memref<!tpu.dma_semaphore, #tpu.memory_space<semaphore_mem>>)
      } else {
      }
      %mul3A_258 = arith.constant 8 : i32
      %mul3A_259 = arith.muli %scan3A_124, %mul3A_258 : i32
      %add3A_260 = arith.constant 1 : i32
      %add3A_261 = arith.addi %mul3A_259, %add3A_260 : i32
      %dma_wait3A_262 = arith.constant 1 : i32
      %dma_wait3A_263 = arith.constant 0 : i32
      %dma_wait3A_264 = tpu.memref_slice %arg7[%dma_wait3A_262, %dma_wait3A_263] : memref<8x128xi32, #tpu.memory_space<vmem>> -> memref<1x128xi32, #tpu.memory_space<vmem>>
      %dma_wait3A_265 = tpu.memref_squeeze %dma_wait3A_264 : memref<1x128xi32, #tpu.memory_space<vmem>> -> memref<128xi32, #tpu.memory_space<vmem>>
      %dma_wait3A_266 = arith.constant 0 : i32
      %dma_wait3A_267 = tpu.memref_slice %arg6[%add3A_261, %dma_wait3A_266] : memref<200x128xi32, #tpu.memory_space<vmem>> -> memref<1x128xi32, #tpu.memory_space<vmem>>
      %dma_wait3A_268 = tpu.memref_squeeze %dma_wait3A_267 : memref<1x128xi32, #tpu.memory_space<vmem>> -> memref<128xi32, #tpu.memory_space<vmem>>
      %dma_wait3A_269 = arith.constant 0 : i32
      %dma_wait3A_270 = tpu.memref_slice %arg2[%dma_wait3A_269] : memref<100000xi32, #tpu.memory_space<hbm>> -> memref<100000xi32, #tpu.memory_space<hbm>>
      tpu.wait_indirect_dma semaphore(%arg11 : memref<!tpu.dma_semaphore, #tpu.memory_space<semaphore_mem>>) src(%dma_wait3A_270 : memref<100000xi32, #tpu.memory_space<hbm>>) dst(%dma_wait3A_265 : memref<128xi32, #tpu.memory_space<vmem>>)
      %gather3A_271 = arith.constant 1 : i32
      %gather3A_272 = arith.constant 0 : i32
      %gather3A_273 = tpu.memref_slice %arg7[%gather3A_271, %gather3A_272] : memref<8x128xi32, #tpu.memory_space<vmem>> -> memref<1x128xi32, #tpu.memory_space<vmem>>
      %gather3A_274 = tpu.memref_squeeze %gather3A_273 : memref<1x128xi32, #tpu.memory_space<vmem>> -> memref<128xi32, #tpu.memory_space<vmem>>
      %gather3A_275 = tpu.vector_load_idx %gather3A_274[%get3A_3] : memref<128xi32, #tpu.memory_space<vmem>>[vector<16xi32>], vector<16xi32>,
      %and3A_276 = arith.andi %gather3A_275, %get3A_35 : vector<16xi32>
      %bitcast3A_277 = vector.bitcast %and3A_276 : vector<16xi32> to vector<16xf32>
      %shift_left3A_278 = arith.shli %gather3A_275, %get3A_39 : vector<16xi32>
      %bitcast3A_279 = vector.bitcast %shift_left3A_278 : vector<16xi32> to vector<16xf32>
      %gather3A_280 = arith.constant 1 : i32
      %gather3A_281 = arith.constant 0 : i32
      %gather3A_282 = tpu.memref_slice %arg7[%gather3A_280, %gather3A_281] : memref<8x128xi32, #tpu.memory_space<vmem>> -> memref<1x128xi32, #tpu.memory_space<vmem>>
      %gather3A_283 = tpu.memref_squeeze %gather3A_282 : memref<1x128xi32, #tpu.memory_space<vmem>> -> memref<128xi32, #tpu.memory_space<vmem>>
      %gather3A_284 = tpu.vector_load_idx %gather3A_283[%get3A_7] : memref<128xi32, #tpu.memory_space<vmem>>[vector<16xi32>], vector<16xi32>,
      %and3A_285 = arith.andi %gather3A_284, %get3A_35 : vector<16xi32>
      %bitcast3A_286 = vector.bitcast %and3A_285 : vector<16xi32> to vector<16xf32>
      %add3A_287 = arith.addf %bitcast3A_277, %bitcast3A_286 : vector<16xf32>
      %shift_left3A_288 = arith.shli %gather3A_284, %get3A_39 : vector<16xi32>
      %bitcast3A_289 = vector.bitcast %shift_left3A_288 : vector<16xi32> to vector<16xf32>
      %add3A_290 = arith.addf %bitcast3A_279, %bitcast3A_289 : vector<16xf32>
      %gather3A_291 = arith.constant 1 : i32
      %gather3A_292 = arith.constant 0 : i32
      %gather3A_293 = tpu.memref_slice %arg7[%gather3A_291, %gather3A_292] : memref<8x128xi32, #tpu.memory_space<vmem>> -> memref<1x128xi32, #tpu.memory_space<vmem>>
      %gather3A_294 = tpu.memref_squeeze %gather3A_293 : memref<1x128xi32, #tpu.memory_space<vmem>> -> memref<128xi32, #tpu.memory_space<vmem>>
      %gather3A_295 = tpu.vector_load_idx %gather3A_294[%get3A_11] : memref<128xi32, #tpu.memory_space<vmem>>[vector<16xi32>], vector<16xi32>,
      %and3A_296 = arith.andi %gather3A_295, %get3A_35 : vector<16xi32>
      %bitcast3A_297 = vector.bitcast %and3A_296 : vector<16xi32> to vector<16xf32>
      %add3A_298 = arith.addf %add3A_287, %bitcast3A_297 : vector<16xf32>
      %shift_left3A_299 = arith.shli %gather3A_295, %get3A_39 : vector<16xi32>
      %bitcast3A_300 = vector.bitcast %shift_left3A_299 : vector<16xi32> to vector<16xf32>
      %add3A_301 = arith.addf %add3A_290, %bitcast3A_300 : vector<16xf32>
      %gather3A_302 = arith.constant 1 : i32
      %gather3A_303 = arith.constant 0 : i32
      %gather3A_304 = tpu.memref_slice %arg7[%gather3A_302, %gather3A_303] : memref<8x128xi32, #tpu.memory_space<vmem>> -> memref<1x128xi32, #tpu.memory_space<vmem>>
      %gather3A_305 = tpu.memref_squeeze %gather3A_304 : memref<1x128xi32, #tpu.memory_space<vmem>> -> memref<128xi32, #tpu.memory_space<vmem>>
      %gather3A_306 = tpu.vector_load_idx %gather3A_305[%get3A_15] : memref<128xi32, #tpu.memory_space<vmem>>[vector<16xi32>], vector<16xi32>,
      %and3A_307 = arith.andi %gather3A_306, %get3A_35 : vector<16xi32>
      %bitcast3A_308 = vector.bitcast %and3A_307 : vector<16xi32> to vector<16xf32>
      %add3A_309 = arith.addf %add3A_298, %bitcast3A_308 : vector<16xf32>
      %shift_left3A_310 = arith.shli %gather3A_306, %get3A_39 : vector<16xi32>
      %bitcast3A_311 = vector.bitcast %shift_left3A_310 : vector<16xi32> to vector<16xf32>
      %add3A_312 = arith.addf %add3A_301, %bitcast3A_311 : vector<16xf32>
      %gather3A_313 = arith.constant 1 : i32
      %gather3A_314 = arith.constant 0 : i32
      %gather3A_315 = tpu.memref_slice %arg7[%gather3A_313, %gather3A_314] : memref<8x128xi32, #tpu.memory_space<vmem>> -> memref<1x128xi32, #tpu.memory_space<vmem>>
      %gather3A_316 = tpu.memref_squeeze %gather3A_315 : memref<1x128xi32, #tpu.memory_space<vmem>> -> memref<128xi32, #tpu.memory_space<vmem>>
      %gather3A_317 = tpu.vector_load_idx %gather3A_316[%get3A_19] : memref<128xi32, #tpu.memory_space<vmem>>[vector<16xi32>], vector<16xi32>,
      %and3A_318 = arith.andi %gather3A_317, %get3A_35 : vector<16xi32>
      %bitcast3A_319 = vector.bitcast %and3A_318 : vector<16xi32> to vector<16xf32>
      %add3A_320 = arith.addf %add3A_309, %bitcast3A_319 : vector<16xf32>
      %shift_left3A_321 = arith.shli %gather3A_317, %get3A_39 : vector<16xi32>
      %bitcast3A_322 = vector.bitcast %shift_left3A_321 : vector<16xi32> to vector<16xf32>
      %add3A_323 = arith.addf %add3A_312, %bitcast3A_322 : vector<16xf32>
      %gather3A_324 = arith.constant 1 : i32
      %gather3A_325 = arith.constant 0 : i32
      %gather3A_326 = tpu.memref_slice %arg7[%gather3A_324, %gather3A_325] : memref<8x128xi32, #tpu.memory_space<vmem>> -> memref<1x128xi32, #tpu.memory_space<vmem>>
      %gather3A_327 = tpu.memref_squeeze %gather3A_326 : memref<1x128xi32, #tpu.memory_space<vmem>> -> memref<128xi32, #tpu.memory_space<vmem>>
      %gather3A_328 = tpu.vector_load_idx %gather3A_327[%get3A_23] : memref<128xi32, #tpu.memory_space<vmem>>[vector<16xi32>], vector<16xi32>,
      %and3A_329 = arith.andi %gather3A_328, %get3A_35 : vector<16xi32>
      %bitcast3A_330 = vector.bitcast %and3A_329 : vector<16xi32> to vector<16xf32>
      %add3A_331 = arith.addf %add3A_320, %bitcast3A_330 : vector<16xf32>
      %shift_left3A_332 = arith.shli %gather3A_328, %get3A_39 : vector<16xi32>
      %bitcast3A_333 = vector.bitcast %shift_left3A_332 : vector<16xi32> to vector<16xf32>
      %add3A_334 = arith.addf %add3A_323, %bitcast3A_333 : vector<16xf32>
      %gather3A_335 = arith.constant 1 : i32
      %gather3A_336 = arith.constant 0 : i32
      %gather3A_337 = tpu.memref_slice %arg7[%gather3A_335, %gather3A_336] : memref<8x128xi32, #tpu.memory_space<vmem>> -> memref<1x128xi32, #tpu.memory_space<vmem>>
      %gather3A_338 = tpu.memref_squeeze %gather3A_337 : memref<1x128xi32, #tpu.memory_space<vmem>> -> memref<128xi32, #tpu.memory_space<vmem>>
      %gather3A_339 = tpu.vector_load_idx %gather3A_338[%get3A_27] : memref<128xi32, #tpu.memory_space<vmem>>[vector<16xi32>], vector<16xi32>,
      %and3A_340 = arith.andi %gather3A_339, %get3A_35 : vector<16xi32>
      %bitcast3A_341 = vector.bitcast %and3A_340 : vector<16xi32> to vector<16xf32>
      %add3A_342 = arith.addf %add3A_331, %bitcast3A_341 : vector<16xf32>
      %shift_left3A_343 = arith.shli %gather3A_339, %get3A_39 : vector<16xi32>
      %bitcast3A_344 = vector.bitcast %shift_left3A_343 : vector<16xi32> to vector<16xf32>
      %add3A_345 = arith.addf %add3A_334, %bitcast3A_344 : vector<16xf32>
      %gather3A_346 = arith.constant 1 : i32
      %gather3A_347 = arith.constant 0 : i32
      %gather3A_348 = tpu.memref_slice %arg7[%gather3A_346, %gather3A_347] : memref<8x128xi32, #tpu.memory_space<vmem>> -> memref<1x128xi32, #tpu.memory_space<vmem>>
      %gather3A_349 = tpu.memref_squeeze %gather3A_348 : memref<1x128xi32, #tpu.memory_space<vmem>> -> memref<128xi32, #tpu.memory_space<vmem>>
      %gather3A_350 = tpu.vector_load_idx %gather3A_349[%get3A_31] : memref<128xi32, #tpu.memory_space<vmem>>[vector<16xi32>], vector<16xi32>,
      %and3A_351 = arith.andi %gather3A_350, %get3A_35 : vector<16xi32>
      %bitcast3A_352 = vector.bitcast %and3A_351 : vector<16xi32> to vector<16xf32>
      %add3A_353 = arith.addf %add3A_342, %bitcast3A_352 : vector<16xf32>
      %shift_left3A_354 = arith.shli %gather3A_350, %get3A_39 : vector<16xi32>
      %bitcast3A_355 = vector.bitcast %shift_left3A_354 : vector<16xi32> to vector<16xf32>
      %add3A_356 = arith.addf %add3A_345, %bitcast3A_355 : vector<16xf32>
      %jit3A_357 = arith.constant 25 : i32
      %div3A_358 = arith.divsi %add3A_261, %jit3A_357 : i32
      %sign3A_359 = arith.constant 0 : i32
      %sign3A_360 = arith.cmpi sgt, %add3A_261, %sign3A_359 : i32
      %sign3A_361 = arith.extui %sign3A_360 : i1 to i32
      %sign3A_362 = arith.constant 0 : i32
      %sign3A_363 = arith.cmpi slt, %add3A_261, %sign3A_362 : i32
      %sign3A_364 = arith.extui %sign3A_363 : i1 to i32
      %sign3A_365 = arith.subi %sign3A_361, %sign3A_364 : i32
      %sign3A_366 = arith.constant 0 : i32
      %sign3A_367 = arith.cmpi sgt, %jit3A_357, %sign3A_366 : i32
      %sign3A_368 = arith.extui %sign3A_367 : i1 to i32
      %sign3A_369 = arith.constant 0 : i32
      %sign3A_370 = arith.cmpi slt, %jit3A_357, %sign3A_369 : i32
      %sign3A_371 = arith.extui %sign3A_370 : i1 to i32
      %sign3A_372 = arith.subi %sign3A_368, %sign3A_371 : i32
      %ne3A_373 = arith.cmpi ne, %sign3A_365, %sign3A_372 : i32
      %rem3A_374 = arith.remsi %add3A_261, %jit3A_357 : i32
      %ne3A_375 = arith.constant 0 : i32
      %ne3A_376 = arith.cmpi ne, %rem3A_374, %ne3A_375 : i32
      %and3A_377 = arith.andi %ne3A_373, %ne3A_376 : i1
      %sub3A_378 = arith.constant 1 : i32
      %sub3A_379 = arith.subi %div3A_358, %sub3A_378 : i32
      %select_n3A_380 = arith.select %and3A_377, %sub3A_379, %div3A_358 : i32
      %mul3A_381 = arith.constant 25 : i32
      %mul3A_382 = arith.muli %select_n3A_380, %mul3A_381 : i32
      %sub3A_383 = arith.subi %add3A_261, %mul3A_382 : i32
      %mul3A_384 = arith.constant 16 : i32
      %mul3A_385 = arith.muli %select_n3A_380, %mul3A_384 : i32
      %mul3A_386 = arith.constant 16 : i32
      %mul3A_387 = arith.muli %select_n3A_380, %mul3A_386 : i32
      %add3A_388 = arith.constant 128 : i32
      %add3A_389 = arith.addi %add3A_388, %mul3A_387 : i32
      %eq3A_390 = arith.constant 0 : i32
      %eq3A_391 = arith.cmpi eq, %sub3A_383, %eq3A_390 : i32
      %convert_element_type3A_392 = arith.extui %eq3A_391 : i1 to i32
      %cond3A_393 = arith.constant 0 : i32
      %cond3A_394 = arith.cmpi ne, %convert_element_type3A_392, %cond3A_393 : i32
      scf.if %cond3A_394 {
        %swap3A = arith.index_cast %mul3A_385 : i32 to index
        %swap3A_1301 = tpu.vector_load %arg9[%swap3A] {strides = array<i32>} : memref<256xf32, #tpu.memory_space<vmem>>, vector<16xf32>,
        tpu.vector_store %arg9[%swap3A], %add3A_353 {strides = array<i32>} : memref<256xf32, #tpu.memory_space<vmem>>, vector<16xf32>,
        %swap3A_1302 = arith.index_cast %add3A_389 : i32 to index
        %swap3A_1303 = tpu.vector_load %arg9[%swap3A_1302] {strides = array<i32>} : memref<256xf32, #tpu.memory_space<vmem>>, vector<16xf32>,
        tpu.vector_store %arg9[%swap3A_1302], %add3A_356 {strides = array<i32>} : memref<256xf32, #tpu.memory_space<vmem>>, vector<16xf32>,
      } else {
      }
      %ne3A_395 = arith.constant 0 : i32
      %ne3A_396 = arith.cmpi ne, %sub3A_383, %ne3A_395 : i32
      %convert_element_type3A_397 = arith.extui %ne3A_396 : i1 to i32
      %cond3A_398 = arith.constant 0 : i32
      %cond3A_399 = arith.cmpi ne, %convert_element_type3A_397, %cond3A_398 : i32
      scf.if %cond3A_399 {
        %get3A_1301 = arith.index_cast %mul3A_385 : i32 to index
        %get3A_1302 = tpu.vector_load %arg9[%get3A_1301] {strides = array<i32>} : memref<256xf32, #tpu.memory_space<vmem>>, vector<16xf32>,
        %add3A_1303 = arith.addf %get3A_1302, %add3A_353 : vector<16xf32>
        %swap3A = arith.index_cast %mul3A_385 : i32 to index
        %swap3A_1304 = tpu.vector_load %arg9[%swap3A] {strides = array<i32>} : memref<256xf32, #tpu.memory_space<vmem>>, vector<16xf32>,
        tpu.vector_store %arg9[%swap3A], %add3A_1303 {strides = array<i32>} : memref<256xf32, #tpu.memory_space<vmem>>, vector<16xf32>,
        %get3A_1305 = arith.index_cast %add3A_389 : i32 to index
        %get3A_1306 = tpu.vector_load %arg9[%get3A_1305] {strides = array<i32>} : memref<256xf32, #tpu.memory_space<vmem>>, vector<16xf32>,
        %add3A_1307 = arith.addf %get3A_1306, %add3A_356 : vector<16xf32>
        %swap3A_1308 = arith.index_cast %add3A_389 : i32 to index
        %swap3A_1309 = tpu.vector_load %arg9[%swap3A_1308] {strides = array<i32>} : memref<256xf32, #tpu.memory_space<vmem>>, vector<16xf32>,
        tpu.vector_store %arg9[%swap3A_1308], %add3A_1307 {strides = array<i32>} : memref<256xf32, #tpu.memory_space<vmem>>, vector<16xf32>,
      } else {
      }
      %add3A_400 = arith.constant 8 : i32
      %add3A_401 = arith.addi %add3A_261, %add3A_400 : i32
      %lt3A_402 = arith.constant 200 : i32
      %lt3A_403 = arith.cmpi slt, %add3A_401, %lt3A_402 : i32
      %convert_element_type3A_404 = arith.extui %lt3A_403 : i1 to i32
      %cond3A_405 = arith.constant 0 : i32
      %cond3A_406 = arith.cmpi ne, %convert_element_type3A_404, %cond3A_405 : i32
      scf.if %cond3A_406 {
        %add3A_1301 = arith.constant 8 : i32
        %add3A_1302 = arith.addi %add3A_261, %add3A_1301 : i32
        %dma_start3A_1303 = arith.constant 1 : i32
        %dma_start3A_1304 = arith.constant 0 : i32
        %dma_start3A_1305 = tpu.memref_slice %arg7[%dma_start3A_1303, %dma_start3A_1304] : memref<8x128xi32, #tpu.memory_space<vmem>> -> memref<1x128xi32, #tpu.memory_space<vmem>>
        %dma_start3A_1306 = tpu.memref_squeeze %dma_start3A_1305 : memref<1x128xi32, #tpu.memory_space<vmem>> -> memref<128xi32, #tpu.memory_space<vmem>>
        %dma_start3A_1307 = arith.constant 0 : i32
        %dma_start3A_1308 = tpu.memref_slice %arg6[%add3A_1302, %dma_start3A_1307] : memref<200x128xi32, #tpu.memory_space<vmem>> -> memref<1x128xi32, #tpu.memory_space<vmem>>
        %dma_start3A_1309 = tpu.memref_squeeze %dma_start3A_1308 : memref<1x128xi32, #tpu.memory_space<vmem>> -> memref<128xi32, #tpu.memory_space<vmem>>
        %dma_start3A_1310 = arith.constant 0 : i32
        %dma_start3A_1311 = tpu.memref_slice %arg2[%dma_start3A_1310] : memref<100000xi32, #tpu.memory_space<hbm>> -> memref<100000xi32, #tpu.memory_space<hbm>>
        tpu.enqueue_indirect_dma source(%dma_start3A_1311 : memref<100000xi32, #tpu.memory_space<hbm>>) target(%dma_start3A_1306 : memref<128xi32, #tpu.memory_space<vmem>>) offsets(%dma_start3A_1309 : memref<128xi32, #tpu.memory_space<vmem>>) semaphore(%arg11 : memref<!tpu.dma_semaphore, #tpu.memory_space<semaphore_mem>>)
      } else {
      }
      %mul3A_407 = arith.constant 8 : i32
      %mul3A_408 = arith.muli %scan3A_124, %mul3A_407 : i32
      %add3A_409 = arith.constant 2 : i32
      %add3A_410 = arith.addi %mul3A_408, %add3A_409 : i32
      %dma_wait3A_411 = arith.constant 2 : i32
      %dma_wait3A_412 = arith.constant 0 : i32
      %dma_wait3A_413 = tpu.memref_slice %arg7[%dma_wait3A_411, %dma_wait3A_412] : memref<8x128xi32, #tpu.memory_space<vmem>> -> memref<1x128xi32, #tpu.memory_space<vmem>>
      %dma_wait3A_414 = tpu.memref_squeeze %dma_wait3A_413 : memref<1x128xi32, #tpu.memory_space<vmem>> -> memref<128xi32, #tpu.memory_space<vmem>>
      %dma_wait3A_415 = arith.constant 0 : i32
      %dma_wait3A_416 = tpu.memref_slice %arg6[%add3A_410, %dma_wait3A_415] : memref<200x128xi32, #tpu.memory_space<vmem>> -> memref<1x128xi32, #tpu.memory_space<vmem>>
      %dma_wait3A_417 = tpu.memref_squeeze %dma_wait3A_416 : memref<1x128xi32, #tpu.memory_space<vmem>> -> memref<128xi32, #tpu.memory_space<vmem>>
      %dma_wait3A_418 = arith.constant 0 : i32
      %dma_wait3A_419 = tpu.memref_slice %arg2[%dma_wait3A_418] : memref<100000xi32, #tpu.memory_space<hbm>> -> memref<100000xi32, #tpu.memory_space<hbm>>
      tpu.wait_indirect_dma semaphore(%arg12 : memref<!tpu.dma_semaphore, #tpu.memory_space<semaphore_mem>>) src(%dma_wait3A_419 : memref<100000xi32, #tpu.memory_space<hbm>>) dst(%dma_wait3A_414 : memref<128xi32, #tpu.memory_space<vmem>>)
      %gather3A_420 = arith.constant 2 : i32
      %gather3A_421 = arith.constant 0 : i32
      %gather3A_422 = tpu.memref_slice %arg7[%gather3A_420, %gather3A_421] : memref<8x128xi32, #tpu.memory_space<vmem>> -> memref<1x128xi32, #tpu.memory_space<vmem>>
      %gather3A_423 = tpu.memref_squeeze %gather3A_422 : memref<1x128xi32, #tpu.memory_space<vmem>> -> memref<128xi32, #tpu.memory_space<vmem>>
      %gather3A_424 = tpu.vector_load_idx %gather3A_423[%get3A_3] : memref<128xi32, #tpu.memory_space<vmem>>[vector<16xi32>], vector<16xi32>,
      %and3A_425 = arith.andi %gather3A_424, %get3A_35 : vector<16xi32>
      %bitcast3A_426 = vector.bitcast %and3A_425 : vector<16xi32> to vector<16xf32>
      %shift_left3A_427 = arith.shli %gather3A_424, %get3A_39 : vector<16xi32>
      %bitcast3A_428 = vector.bitcast %shift_left3A_427 : vector<16xi32> to vector<16xf32>
      %gather3A_429 = arith.constant 2 : i32
      %gather3A_430 = arith.constant 0 : i32
      %gather3A_431 = tpu.memref_slice %arg7[%gather3A_429, %gather3A_430] : memref<8x128xi32, #tpu.memory_space<vmem>> -> memref<1x128xi32, #tpu.memory_space<vmem>>
      %gather3A_432 = tpu.memref_squeeze %gather3A_431 : memref<1x128xi32, #tpu.memory_space<vmem>> -> memref<128xi32, #tpu.memory_space<vmem>>
      %gather3A_433 = tpu.vector_load_idx %gather3A_432[%get3A_7] : memref<128xi32, #tpu.memory_space<vmem>>[vector<16xi32>], vector<16xi32>,
      %and3A_434 = arith.andi %gather3A_433, %get3A_35 : vector<16xi32>
      %bitcast3A_435 = vector.bitcast %and3A_434 : vector<16xi32> to vector<16xf32>
      %add3A_436 = arith.addf %bitcast3A_426, %bitcast3A_435 : vector<16xf32>
      %shift_left3A_437 = arith.shli %gather3A_433, %get3A_39 : vector<16xi32>
      %bitcast3A_438 = vector.bitcast %shift_left3A_437 : vector<16xi32> to vector<16xf32>
      %add3A_439 = arith.addf %bitcast3A_428, %bitcast3A_438 : vector<16xf32>
      %gather3A_440 = arith.constant 2 : i32
      %gather3A_441 = arith.constant 0 : i32
      %gather3A_442 = tpu.memref_slice %arg7[%gather3A_440, %gather3A_441] : memref<8x128xi32, #tpu.memory_space<vmem>> -> memref<1x128xi32, #tpu.memory_space<vmem>>
      %gather3A_443 = tpu.memref_squeeze %gather3A_442 : memref<1x128xi32, #tpu.memory_space<vmem>> -> memref<128xi32, #tpu.memory_space<vmem>>
      %gather3A_444 = tpu.vector_load_idx %gather3A_443[%get3A_11] : memref<128xi32, #tpu.memory_space<vmem>>[vector<16xi32>], vector<16xi32>,
      %and3A_445 = arith.andi %gather3A_444, %get3A_35 : vector<16xi32>
      %bitcast3A_446 = vector.bitcast %and3A_445 : vector<16xi32> to vector<16xf32>
      %add3A_447 = arith.addf %add3A_436, %bitcast3A_446 : vector<16xf32>
      %shift_left3A_448 = arith.shli %gather3A_444, %get3A_39 : vector<16xi32>
      %bitcast3A_449 = vector.bitcast %shift_left3A_448 : vector<16xi32> to vector<16xf32>
      %add3A_450 = arith.addf %add3A_439, %bitcast3A_449 : vector<16xf32>
      %gather3A_451 = arith.constant 2 : i32
      %gather3A_452 = arith.constant 0 : i32
      %gather3A_453 = tpu.memref_slice %arg7[%gather3A_451, %gather3A_452] : memref<8x128xi32, #tpu.memory_space<vmem>> -> memref<1x128xi32, #tpu.memory_space<vmem>>
      %gather3A_454 = tpu.memref_squeeze %gather3A_453 : memref<1x128xi32, #tpu.memory_space<vmem>> -> memref<128xi32, #tpu.memory_space<vmem>>
      %gather3A_455 = tpu.vector_load_idx %gather3A_454[%get3A_15] : memref<128xi32, #tpu.memory_space<vmem>>[vector<16xi32>], vector<16xi32>,
      %and3A_456 = arith.andi %gather3A_455, %get3A_35 : vector<16xi32>
      %bitcast3A_457 = vector.bitcast %and3A_456 : vector<16xi32> to vector<16xf32>
      %add3A_458 = arith.addf %add3A_447, %bitcast3A_457 : vector<16xf32>
      %shift_left3A_459 = arith.shli %gather3A_455, %get3A_39 : vector<16xi32>
      %bitcast3A_460 = vector.bitcast %shift_left3A_459 : vector<16xi32> to vector<16xf32>
      %add3A_461 = arith.addf %add3A_450, %bitcast3A_460 : vector<16xf32>
      %gather3A_462 = arith.constant 2 : i32
      %gather3A_463 = arith.constant 0 : i32
      %gather3A_464 = tpu.memref_slice %arg7[%gather3A_462, %gather3A_463] : memref<8x128xi32, #tpu.memory_space<vmem>> -> memref<1x128xi32, #tpu.memory_space<vmem>>
      %gather3A_465 = tpu.memref_squeeze %gather3A_464 : memref<1x128xi32, #tpu.memory_space<vmem>> -> memref<128xi32, #tpu.memory_space<vmem>>
      %gather3A_466 = tpu.vector_load_idx %gather3A_465[%get3A_19] : memref<128xi32, #tpu.memory_space<vmem>>[vector<16xi32>], vector<16xi32>,
      %and3A_467 = arith.andi %gather3A_466, %get3A_35 : vector<16xi32>
      %bitcast3A_468 = vector.bitcast %and3A_467 : vector<16xi32> to vector<16xf32>
      %add3A_469 = arith.addf %add3A_458, %bitcast3A_468 : vector<16xf32>
      %shift_left3A_470 = arith.shli %gather3A_466, %get3A_39 : vector<16xi32>
      %bitcast3A_471 = vector.bitcast %shift_left3A_470 : vector<16xi32> to vector<16xf32>
      %add3A_472 = arith.addf %add3A_461, %bitcast3A_471 : vector<16xf32>
      %gather3A_473 = arith.constant 2 : i32
      %gather3A_474 = arith.constant 0 : i32
      %gather3A_475 = tpu.memref_slice %arg7[%gather3A_473, %gather3A_474] : memref<8x128xi32, #tpu.memory_space<vmem>> -> memref<1x128xi32, #tpu.memory_space<vmem>>
      %gather3A_476 = tpu.memref_squeeze %gather3A_475 : memref<1x128xi32, #tpu.memory_space<vmem>> -> memref<128xi32, #tpu.memory_space<vmem>>
      %gather3A_477 = tpu.vector_load_idx %gather3A_476[%get3A_23] : memref<128xi32, #tpu.memory_space<vmem>>[vector<16xi32>], vector<16xi32>,
      %and3A_478 = arith.andi %gather3A_477, %get3A_35 : vector<16xi32>
      %bitcast3A_479 = vector.bitcast %and3A_478 : vector<16xi32> to vector<16xf32>
      %add3A_480 = arith.addf %add3A_469, %bitcast3A_479 : vector<16xf32>
      %shift_left3A_481 = arith.shli %gather3A_477, %get3A_39 : vector<16xi32>
      %bitcast3A_482 = vector.bitcast %shift_left3A_481 : vector<16xi32> to vector<16xf32>
      %add3A_483 = arith.addf %add3A_472, %bitcast3A_482 : vector<16xf32>
      %gather3A_484 = arith.constant 2 : i32
      %gather3A_485 = arith.constant 0 : i32
      %gather3A_486 = tpu.memref_slice %arg7[%gather3A_484, %gather3A_485] : memref<8x128xi32, #tpu.memory_space<vmem>> -> memref<1x128xi32, #tpu.memory_space<vmem>>
      %gather3A_487 = tpu.memref_squeeze %gather3A_486 : memref<1x128xi32, #tpu.memory_space<vmem>> -> memref<128xi32, #tpu.memory_space<vmem>>
      %gather3A_488 = tpu.vector_load_idx %gather3A_487[%get3A_27] : memref<128xi32, #tpu.memory_space<vmem>>[vector<16xi32>], vector<16xi32>,
      %and3A_489 = arith.andi %gather3A_488, %get3A_35 : vector<16xi32>
      %bitcast3A_490 = vector.bitcast %and3A_489 : vector<16xi32> to vector<16xf32>
      %add3A_491 = arith.addf %add3A_480, %bitcast3A_490 : vector<16xf32>
      %shift_left3A_492 = arith.shli %gather3A_488, %get3A_39 : vector<16xi32>
      %bitcast3A_493 = vector.bitcast %shift_left3A_492 : vector<16xi32> to vector<16xf32>
      %add3A_494 = arith.addf %add3A_483, %bitcast3A_493 : vector<16xf32>
      %gather3A_495 = arith.constant 2 : i32
      %gather3A_496 = arith.constant 0 : i32
      %gather3A_497 = tpu.memref_slice %arg7[%gather3A_495, %gather3A_496] : memref<8x128xi32, #tpu.memory_space<vmem>> -> memref<1x128xi32, #tpu.memory_space<vmem>>
      %gather3A_498 = tpu.memref_squeeze %gather3A_497 : memref<1x128xi32, #tpu.memory_space<vmem>> -> memref<128xi32, #tpu.memory_space<vmem>>
      %gather3A_499 = tpu.vector_load_idx %gather3A_498[%get3A_31] : memref<128xi32, #tpu.memory_space<vmem>>[vector<16xi32>], vector<16xi32>,
      %and3A_500 = arith.andi %gather3A_499, %get3A_35 : vector<16xi32>
      %bitcast3A_501 = vector.bitcast %and3A_500 : vector<16xi32> to vector<16xf32>
      %add3A_502 = arith.addf %add3A_491, %bitcast3A_501 : vector<16xf32>
      %shift_left3A_503 = arith.shli %gather3A_499, %get3A_39 : vector<16xi32>
      %bitcast3A_504 = vector.bitcast %shift_left3A_503 : vector<16xi32> to vector<16xf32>
      %add3A_505 = arith.addf %add3A_494, %bitcast3A_504 : vector<16xf32>
      %jit3A_506 = arith.constant 25 : i32
      %div3A_507 = arith.divsi %add3A_410, %jit3A_506 : i32
      %sign3A_508 = arith.constant 0 : i32
      %sign3A_509 = arith.cmpi sgt, %add3A_410, %sign3A_508 : i32
      %sign3A_510 = arith.extui %sign3A_509 : i1 to i32
      %sign3A_511 = arith.constant 0 : i32
      %sign3A_512 = arith.cmpi slt, %add3A_410, %sign3A_511 : i32
      %sign3A_513 = arith.extui %sign3A_512 : i1 to i32
      %sign3A_514 = arith.subi %sign3A_510, %sign3A_513 : i32
      %sign3A_515 = arith.constant 0 : i32
      %sign3A_516 = arith.cmpi sgt, %jit3A_506, %sign3A_515 : i32
      %sign3A_517 = arith.extui %sign3A_516 : i1 to i32
      %sign3A_518 = arith.constant 0 : i32
      %sign3A_519 = arith.cmpi slt, %jit3A_506, %sign3A_518 : i32
      %sign3A_520 = arith.extui %sign3A_519 : i1 to i32
      %sign3A_521 = arith.subi %sign3A_517, %sign3A_520 : i32
      %ne3A_522 = arith.cmpi ne, %sign3A_514, %sign3A_521 : i32
      %rem3A_523 = arith.remsi %add3A_410, %jit3A_506 : i32
      %ne3A_524 = arith.constant 0 : i32
      %ne3A_525 = arith.cmpi ne, %rem3A_523, %ne3A_524 : i32
      %and3A_526 = arith.andi %ne3A_522, %ne3A_525 : i1
      %sub3A_527 = arith.constant 1 : i32
      %sub3A_528 = arith.subi %div3A_507, %sub3A_527 : i32
      %select_n3A_529 = arith.select %and3A_526, %sub3A_528, %div3A_507 : i32
      %mul3A_530 = arith.constant 25 : i32
      %mul3A_531 = arith.muli %select_n3A_529, %mul3A_530 : i32
      %sub3A_532 = arith.subi %add3A_410, %mul3A_531 : i32
      %mul3A_533 = arith.constant 16 : i32
      %mul3A_534 = arith.muli %select_n3A_529, %mul3A_533 : i32
      %mul3A_535 = arith.constant 16 : i32
      %mul3A_536 = arith.muli %select_n3A_529, %mul3A_535 : i32
      %add3A_537 = arith.constant 128 : i32
      %add3A_538 = arith.addi %add3A_537, %mul3A_536 : i32
      %eq3A_539 = arith.constant 0 : i32
      %eq3A_540 = arith.cmpi eq, %sub3A_532, %eq3A_539 : i32
      %convert_element_type3A_541 = arith.extui %eq3A_540 : i1 to i32
      %cond3A_542 = arith.constant 0 : i32
      %cond3A_543 = arith.cmpi ne, %convert_element_type3A_541, %cond3A_542 : i32
      scf.if %cond3A_543 {
        %swap3A = arith.index_cast %mul3A_534 : i32 to index
        %swap3A_1301 = tpu.vector_load %arg9[%swap3A] {strides = array<i32>} : memref<256xf32, #tpu.memory_space<vmem>>, vector<16xf32>,
        tpu.vector_store %arg9[%swap3A], %add3A_502 {strides = array<i32>} : memref<256xf32, #tpu.memory_space<vmem>>, vector<16xf32>,
        %swap3A_1302 = arith.index_cast %add3A_538 : i32 to index
        %swap3A_1303 = tpu.vector_load %arg9[%swap3A_1302] {strides = array<i32>} : memref<256xf32, #tpu.memory_space<vmem>>, vector<16xf32>,
        tpu.vector_store %arg9[%swap3A_1302], %add3A_505 {strides = array<i32>} : memref<256xf32, #tpu.memory_space<vmem>>, vector<16xf32>,
      } else {
      }
      %ne3A_544 = arith.constant 0 : i32
      %ne3A_545 = arith.cmpi ne, %sub3A_532, %ne3A_544 : i32
      %convert_element_type3A_546 = arith.extui %ne3A_545 : i1 to i32
      %cond3A_547 = arith.constant 0 : i32
      %cond3A_548 = arith.cmpi ne, %convert_element_type3A_546, %cond3A_547 : i32
      scf.if %cond3A_548 {
        %get3A_1301 = arith.index_cast %mul3A_534 : i32 to index
        %get3A_1302 = tpu.vector_load %arg9[%get3A_1301] {strides = array<i32>} : memref<256xf32, #tpu.memory_space<vmem>>, vector<16xf32>,
        %add3A_1303 = arith.addf %get3A_1302, %add3A_502 : vector<16xf32>
        %swap3A = arith.index_cast %mul3A_534 : i32 to index
        %swap3A_1304 = tpu.vector_load %arg9[%swap3A] {strides = array<i32>} : memref<256xf32, #tpu.memory_space<vmem>>, vector<16xf32>,
        tpu.vector_store %arg9[%swap3A], %add3A_1303 {strides = array<i32>} : memref<256xf32, #tpu.memory_space<vmem>>, vector<16xf32>,
        %get3A_1305 = arith.index_cast %add3A_538 : i32 to index
        %get3A_1306 = tpu.vector_load %arg9[%get3A_1305] {strides = array<i32>} : memref<256xf32, #tpu.memory_space<vmem>>, vector<16xf32>,
        %add3A_1307 = arith.addf %get3A_1306, %add3A_505 : vector<16xf32>
        %swap3A_1308 = arith.index_cast %add3A_538 : i32 to index
        %swap3A_1309 = tpu.vector_load %arg9[%swap3A_1308] {strides = array<i32>} : memref<256xf32, #tpu.memory_space<vmem>>, vector<16xf32>,
        tpu.vector_store %arg9[%swap3A_1308], %add3A_1307 {strides = array<i32>} : memref<256xf32, #tpu.memory_space<vmem>>, vector<16xf32>,
      } else {
      }
      %add3A_549 = arith.constant 8 : i32
      %add3A_550 = arith.addi %add3A_410, %add3A_549 : i32
      %lt3A_551 = arith.constant 200 : i32
      %lt3A_552 = arith.cmpi slt, %add3A_550, %lt3A_551 : i32
      %convert_element_type3A_553 = arith.extui %lt3A_552 : i1 to i32
      %cond3A_554 = arith.constant 0 : i32
      %cond3A_555 = arith.cmpi ne, %convert_element_type3A_553, %cond3A_554 : i32
      scf.if %cond3A_555 {
        %add3A_1301 = arith.constant 8 : i32
        %add3A_1302 = arith.addi %add3A_410, %add3A_1301 : i32
        %dma_start3A_1303 = arith.constant 2 : i32
        %dma_start3A_1304 = arith.constant 0 : i32
        %dma_start3A_1305 = tpu.memref_slice %arg7[%dma_start3A_1303, %dma_start3A_1304] : memref<8x128xi32, #tpu.memory_space<vmem>> -> memref<1x128xi32, #tpu.memory_space<vmem>>
        %dma_start3A_1306 = tpu.memref_squeeze %dma_start3A_1305 : memref<1x128xi32, #tpu.memory_space<vmem>> -> memref<128xi32, #tpu.memory_space<vmem>>
        %dma_start3A_1307 = arith.constant 0 : i32
        %dma_start3A_1308 = tpu.memref_slice %arg6[%add3A_1302, %dma_start3A_1307] : memref<200x128xi32, #tpu.memory_space<vmem>> -> memref<1x128xi32, #tpu.memory_space<vmem>>
        %dma_start3A_1309 = tpu.memref_squeeze %dma_start3A_1308 : memref<1x128xi32, #tpu.memory_space<vmem>> -> memref<128xi32, #tpu.memory_space<vmem>>
        %dma_start3A_1310 = arith.constant 0 : i32
        %dma_start3A_1311 = tpu.memref_slice %arg2[%dma_start3A_1310] : memref<100000xi32, #tpu.memory_space<hbm>> -> memref<100000xi32, #tpu.memory_space<hbm>>
        tpu.enqueue_indirect_dma source(%dma_start3A_1311 : memref<100000xi32, #tpu.memory_space<hbm>>) target(%dma_start3A_1306 : memref<128xi32, #tpu.memory_space<vmem>>) offsets(%dma_start3A_1309 : memref<128xi32, #tpu.memory_space<vmem>>) semaphore(%arg12 : memref<!tpu.dma_semaphore, #tpu.memory_space<semaphore_mem>>)
      } else {
      }
      %mul3A_556 = arith.constant 8 : i32
      %mul3A_557 = arith.muli %scan3A_124, %mul3A_556 : i32
      %add3A_558 = arith.constant 3 : i32
      %add3A_559 = arith.addi %mul3A_557, %add3A_558 : i32
      %dma_wait3A_560 = arith.constant 3 : i32
      %dma_wait3A_561 = arith.constant 0 : i32
      %dma_wait3A_562 = tpu.memref_slice %arg7[%dma_wait3A_560, %dma_wait3A_561] : memref<8x128xi32, #tpu.memory_space<vmem>> -> memref<1x128xi32, #tpu.memory_space<vmem>>
      %dma_wait3A_563 = tpu.memref_squeeze %dma_wait3A_562 : memref<1x128xi32, #tpu.memory_space<vmem>> -> memref<128xi32, #tpu.memory_space<vmem>>
      %dma_wait3A_564 = arith.constant 0 : i32
      %dma_wait3A_565 = tpu.memref_slice %arg6[%add3A_559, %dma_wait3A_564] : memref<200x128xi32, #tpu.memory_space<vmem>> -> memref<1x128xi32, #tpu.memory_space<vmem>>
      %dma_wait3A_566 = tpu.memref_squeeze %dma_wait3A_565 : memref<1x128xi32, #tpu.memory_space<vmem>> -> memref<128xi32, #tpu.memory_space<vmem>>
      %dma_wait3A_567 = arith.constant 0 : i32
      %dma_wait3A_568 = tpu.memref_slice %arg2[%dma_wait3A_567] : memref<100000xi32, #tpu.memory_space<hbm>> -> memref<100000xi32, #tpu.memory_space<hbm>>
      tpu.wait_indirect_dma semaphore(%arg13 : memref<!tpu.dma_semaphore, #tpu.memory_space<semaphore_mem>>) src(%dma_wait3A_568 : memref<100000xi32, #tpu.memory_space<hbm>>) dst(%dma_wait3A_563 : memref<128xi32, #tpu.memory_space<vmem>>)
      %gather3A_569 = arith.constant 3 : i32
      %gather3A_570 = arith.constant 0 : i32
      %gather3A_571 = tpu.memref_slice %arg7[%gather3A_569, %gather3A_570] : memref<8x128xi32, #tpu.memory_space<vmem>> -> memref<1x128xi32, #tpu.memory_space<vmem>>
      %gather3A_572 = tpu.memref_squeeze %gather3A_571 : memref<1x128xi32, #tpu.memory_space<vmem>> -> memref<128xi32, #tpu.memory_space<vmem>>
      %gather3A_573 = tpu.vector_load_idx %gather3A_572[%get3A_3] : memref<128xi32, #tpu.memory_space<vmem>>[vector<16xi32>], vector<16xi32>,
      %and3A_574 = arith.andi %gather3A_573, %get3A_35 : vector<16xi32>
      %bitcast3A_575 = vector.bitcast %and3A_574 : vector<16xi32> to vector<16xf32>
      %shift_left3A_576 = arith.shli %gather3A_573, %get3A_39 : vector<16xi32>
      %bitcast3A_577 = vector.bitcast %shift_left3A_576 : vector<16xi32> to vector<16xf32>
      %gather3A_578 = arith.constant 3 : i32
      %gather3A_579 = arith.constant 0 : i32
      %gather3A_580 = tpu.memref_slice %arg7[%gather3A_578, %gather3A_579] : memref<8x128xi32, #tpu.memory_space<vmem>> -> memref<1x128xi32, #tpu.memory_space<vmem>>
      %gather3A_581 = tpu.memref_squeeze %gather3A_580 : memref<1x128xi32, #tpu.memory_space<vmem>> -> memref<128xi32, #tpu.memory_space<vmem>>
      %gather3A_582 = tpu.vector_load_idx %gather3A_581[%get3A_7] : memref<128xi32, #tpu.memory_space<vmem>>[vector<16xi32>], vector<16xi32>,
      %and3A_583 = arith.andi %gather3A_582, %get3A_35 : vector<16xi32>
      %bitcast3A_584 = vector.bitcast %and3A_583 : vector<16xi32> to vector<16xf32>
      %add3A_585 = arith.addf %bitcast3A_575, %bitcast3A_584 : vector<16xf32>
      %shift_left3A_586 = arith.shli %gather3A_582, %get3A_39 : vector<16xi32>
      %bitcast3A_587 = vector.bitcast %shift_left3A_586 : vector<16xi32> to vector<16xf32>
      %add3A_588 = arith.addf %bitcast3A_577, %bitcast3A_587 : vector<16xf32>
      %gather3A_589 = arith.constant 3 : i32
      %gather3A_590 = arith.constant 0 : i32
      %gather3A_591 = tpu.memref_slice %arg7[%gather3A_589, %gather3A_590] : memref<8x128xi32, #tpu.memory_space<vmem>> -> memref<1x128xi32, #tpu.memory_space<vmem>>
      %gather3A_592 = tpu.memref_squeeze %gather3A_591 : memref<1x128xi32, #tpu.memory_space<vmem>> -> memref<128xi32, #tpu.memory_space<vmem>>
      %gather3A_593 = tpu.vector_load_idx %gather3A_592[%get3A_11] : memref<128xi32, #tpu.memory_space<vmem>>[vector<16xi32>], vector<16xi32>,
      %and3A_594 = arith.andi %gather3A_593, %get3A_35 : vector<16xi32>
      %bitcast3A_595 = vector.bitcast %and3A_594 : vector<16xi32> to vector<16xf32>
      %add3A_596 = arith.addf %add3A_585, %bitcast3A_595 : vector<16xf32>
      %shift_left3A_597 = arith.shli %gather3A_593, %get3A_39 : vector<16xi32>
      %bitcast3A_598 = vector.bitcast %shift_left3A_597 : vector<16xi32> to vector<16xf32>
      %add3A_599 = arith.addf %add3A_588, %bitcast3A_598 : vector<16xf32>
      %gather3A_600 = arith.constant 3 : i32
      %gather3A_601 = arith.constant 0 : i32
      %gather3A_602 = tpu.memref_slice %arg7[%gather3A_600, %gather3A_601] : memref<8x128xi32, #tpu.memory_space<vmem>> -> memref<1x128xi32, #tpu.memory_space<vmem>>
      %gather3A_603 = tpu.memref_squeeze %gather3A_602 : memref<1x128xi32, #tpu.memory_space<vmem>> -> memref<128xi32, #tpu.memory_space<vmem>>
      %gather3A_604 = tpu.vector_load_idx %gather3A_603[%get3A_15] : memref<128xi32, #tpu.memory_space<vmem>>[vector<16xi32>], vector<16xi32>,
      %and3A_605 = arith.andi %gather3A_604, %get3A_35 : vector<16xi32>
      %bitcast3A_606 = vector.bitcast %and3A_605 : vector<16xi32> to vector<16xf32>
      %add3A_607 = arith.addf %add3A_596, %bitcast3A_606 : vector<16xf32>
      %shift_left3A_608 = arith.shli %gather3A_604, %get3A_39 : vector<16xi32>
      %bitcast3A_609 = vector.bitcast %shift_left3A_608 : vector<16xi32> to vector<16xf32>
      %add3A_610 = arith.addf %add3A_599, %bitcast3A_609 : vector<16xf32>
      %gather3A_611 = arith.constant 3 : i32
      %gather3A_612 = arith.constant 0 : i32
      %gather3A_613 = tpu.memref_slice %arg7[%gather3A_611, %gather3A_612] : memref<8x128xi32, #tpu.memory_space<vmem>> -> memref<1x128xi32, #tpu.memory_space<vmem>>
      %gather3A_614 = tpu.memref_squeeze %gather3A_613 : memref<1x128xi32, #tpu.memory_space<vmem>> -> memref<128xi32, #tpu.memory_space<vmem>>
      %gather3A_615 = tpu.vector_load_idx %gather3A_614[%get3A_19] : memref<128xi32, #tpu.memory_space<vmem>>[vector<16xi32>], vector<16xi32>,
      %and3A_616 = arith.andi %gather3A_615, %get3A_35 : vector<16xi32>
      %bitcast3A_617 = vector.bitcast %and3A_616 : vector<16xi32> to vector<16xf32>
      %add3A_618 = arith.addf %add3A_607, %bitcast3A_617 : vector<16xf32>
      %shift_left3A_619 = arith.shli %gather3A_615, %get3A_39 : vector<16xi32>
      %bitcast3A_620 = vector.bitcast %shift_left3A_619 : vector<16xi32> to vector<16xf32>
      %add3A_621 = arith.addf %add3A_610, %bitcast3A_620 : vector<16xf32>
      %gather3A_622 = arith.constant 3 : i32
      %gather3A_623 = arith.constant 0 : i32
      %gather3A_624 = tpu.memref_slice %arg7[%gather3A_622, %gather3A_623] : memref<8x128xi32, #tpu.memory_space<vmem>> -> memref<1x128xi32, #tpu.memory_space<vmem>>
      %gather3A_625 = tpu.memref_squeeze %gather3A_624 : memref<1x128xi32, #tpu.memory_space<vmem>> -> memref<128xi32, #tpu.memory_space<vmem>>
      %gather3A_626 = tpu.vector_load_idx %gather3A_625[%get3A_23] : memref<128xi32, #tpu.memory_space<vmem>>[vector<16xi32>], vector<16xi32>,
      %and3A_627 = arith.andi %gather3A_626, %get3A_35 : vector<16xi32>
      %bitcast3A_628 = vector.bitcast %and3A_627 : vector<16xi32> to vector<16xf32>
      %add3A_629 = arith.addf %add3A_618, %bitcast3A_628 : vector<16xf32>
      %shift_left3A_630 = arith.shli %gather3A_626, %get3A_39 : vector<16xi32>
      %bitcast3A_631 = vector.bitcast %shift_left3A_630 : vector<16xi32> to vector<16xf32>
      %add3A_632 = arith.addf %add3A_621, %bitcast3A_631 : vector<16xf32>
      %gather3A_633 = arith.constant 3 : i32
      %gather3A_634 = arith.constant 0 : i32
      %gather3A_635 = tpu.memref_slice %arg7[%gather3A_633, %gather3A_634] : memref<8x128xi32, #tpu.memory_space<vmem>> -> memref<1x128xi32, #tpu.memory_space<vmem>>
      %gather3A_636 = tpu.memref_squeeze %gather3A_635 : memref<1x128xi32, #tpu.memory_space<vmem>> -> memref<128xi32, #tpu.memory_space<vmem>>
      %gather3A_637 = tpu.vector_load_idx %gather3A_636[%get3A_27] : memref<128xi32, #tpu.memory_space<vmem>>[vector<16xi32>], vector<16xi32>,
      %and3A_638 = arith.andi %gather3A_637, %get3A_35 : vector<16xi32>
      %bitcast3A_639 = vector.bitcast %and3A_638 : vector<16xi32> to vector<16xf32>
      %add3A_640 = arith.addf %add3A_629, %bitcast3A_639 : vector<16xf32>
      %shift_left3A_641 = arith.shli %gather3A_637, %get3A_39 : vector<16xi32>
      %bitcast3A_642 = vector.bitcast %shift_left3A_641 : vector<16xi32> to vector<16xf32>
      %add3A_643 = arith.addf %add3A_632, %bitcast3A_642 : vector<16xf32>
      %gather3A_644 = arith.constant 3 : i32
      %gather3A_645 = arith.constant 0 : i32
      %gather3A_646 = tpu.memref_slice %arg7[%gather3A_644, %gather3A_645] : memref<8x128xi32, #tpu.memory_space<vmem>> -> memref<1x128xi32, #tpu.memory_space<vmem>>
      %gather3A_647 = tpu.memref_squeeze %gather3A_646 : memref<1x128xi32, #tpu.memory_space<vmem>> -> memref<128xi32, #tpu.memory_space<vmem>>
      %gather3A_648 = tpu.vector_load_idx %gather3A_647[%get3A_31] : memref<128xi32, #tpu.memory_space<vmem>>[vector<16xi32>], vector<16xi32>,
      %and3A_649 = arith.andi %gather3A_648, %get3A_35 : vector<16xi32>
      %bitcast3A_650 = vector.bitcast %and3A_649 : vector<16xi32> to vector<16xf32>
      %add3A_651 = arith.addf %add3A_640, %bitcast3A_650 : vector<16xf32>
      %shift_left3A_652 = arith.shli %gather3A_648, %get3A_39 : vector<16xi32>
      %bitcast3A_653 = vector.bitcast %shift_left3A_652 : vector<16xi32> to vector<16xf32>
      %add3A_654 = arith.addf %add3A_643, %bitcast3A_653 : vector<16xf32>
      %jit3A_655 = arith.constant 25 : i32
      %div3A_656 = arith.divsi %add3A_559, %jit3A_655 : i32
      %sign3A_657 = arith.constant 0 : i32
      %sign3A_658 = arith.cmpi sgt, %add3A_559, %sign3A_657 : i32
      %sign3A_659 = arith.extui %sign3A_658 : i1 to i32
      %sign3A_660 = arith.constant 0 : i32
      %sign3A_661 = arith.cmpi slt, %add3A_559, %sign3A_660 : i32
      %sign3A_662 = arith.extui %sign3A_661 : i1 to i32
      %sign3A_663 = arith.subi %sign3A_659, %sign3A_662 : i32
      %sign3A_664 = arith.constant 0 : i32
      %sign3A_665 = arith.cmpi sgt, %jit3A_655, %sign3A_664 : i32
      %sign3A_666 = arith.extui %sign3A_665 : i1 to i32
      %sign3A_667 = arith.constant 0 : i32
      %sign3A_668 = arith.cmpi slt, %jit3A_655, %sign3A_667 : i32
      %sign3A_669 = arith.extui %sign3A_668 : i1 to i32
      %sign3A_670 = arith.subi %sign3A_666, %sign3A_669 : i32
      %ne3A_671 = arith.cmpi ne, %sign3A_663, %sign3A_670 : i32
      %rem3A_672 = arith.remsi %add3A_559, %jit3A_655 : i32
      %ne3A_673 = arith.constant 0 : i32
      %ne3A_674 = arith.cmpi ne, %rem3A_672, %ne3A_673 : i32
      %and3A_675 = arith.andi %ne3A_671, %ne3A_674 : i1
      %sub3A_676 = arith.constant 1 : i32
      %sub3A_677 = arith.subi %div3A_656, %sub3A_676 : i32
      %select_n3A_678 = arith.select %and3A_675, %sub3A_677, %div3A_656 : i32
      %mul3A_679 = arith.constant 25 : i32
      %mul3A_680 = arith.muli %select_n3A_678, %mul3A_679 : i32
      %sub3A_681 = arith.subi %add3A_559, %mul3A_680 : i32
      %mul3A_682 = arith.constant 16 : i32
      %mul3A_683 = arith.muli %select_n3A_678, %mul3A_682 : i32
      %mul3A_684 = arith.constant 16 : i32
      %mul3A_685 = arith.muli %select_n3A_678, %mul3A_684 : i32
      %add3A_686 = arith.constant 128 : i32
      %add3A_687 = arith.addi %add3A_686, %mul3A_685 : i32
      %eq3A_688 = arith.constant 0 : i32
      %eq3A_689 = arith.cmpi eq, %sub3A_681, %eq3A_688 : i32
      %convert_element_type3A_690 = arith.extui %eq3A_689 : i1 to i32
      %cond3A_691 = arith.constant 0 : i32
      %cond3A_692 = arith.cmpi ne, %convert_element_type3A_690, %cond3A_691 : i32
      scf.if %cond3A_692 {
        %swap3A = arith.index_cast %mul3A_683 : i32 to index
        %swap3A_1301 = tpu.vector_load %arg9[%swap3A] {strides = array<i32>} : memref<256xf32, #tpu.memory_space<vmem>>, vector<16xf32>,
        tpu.vector_store %arg9[%swap3A], %add3A_651 {strides = array<i32>} : memref<256xf32, #tpu.memory_space<vmem>>, vector<16xf32>,
        %swap3A_1302 = arith.index_cast %add3A_687 : i32 to index
        %swap3A_1303 = tpu.vector_load %arg9[%swap3A_1302] {strides = array<i32>} : memref<256xf32, #tpu.memory_space<vmem>>, vector<16xf32>,
        tpu.vector_store %arg9[%swap3A_1302], %add3A_654 {strides = array<i32>} : memref<256xf32, #tpu.memory_space<vmem>>, vector<16xf32>,
      } else {
      }
      %ne3A_693 = arith.constant 0 : i32
      %ne3A_694 = arith.cmpi ne, %sub3A_681, %ne3A_693 : i32
      %convert_element_type3A_695 = arith.extui %ne3A_694 : i1 to i32
      %cond3A_696 = arith.constant 0 : i32
      %cond3A_697 = arith.cmpi ne, %convert_element_type3A_695, %cond3A_696 : i32
      scf.if %cond3A_697 {
        %get3A_1301 = arith.index_cast %mul3A_683 : i32 to index
        %get3A_1302 = tpu.vector_load %arg9[%get3A_1301] {strides = array<i32>} : memref<256xf32, #tpu.memory_space<vmem>>, vector<16xf32>,
        %add3A_1303 = arith.addf %get3A_1302, %add3A_651 : vector<16xf32>
        %swap3A = arith.index_cast %mul3A_683 : i32 to index
        %swap3A_1304 = tpu.vector_load %arg9[%swap3A] {strides = array<i32>} : memref<256xf32, #tpu.memory_space<vmem>>, vector<16xf32>,
        tpu.vector_store %arg9[%swap3A], %add3A_1303 {strides = array<i32>} : memref<256xf32, #tpu.memory_space<vmem>>, vector<16xf32>,
        %get3A_1305 = arith.index_cast %add3A_687 : i32 to index
        %get3A_1306 = tpu.vector_load %arg9[%get3A_1305] {strides = array<i32>} : memref<256xf32, #tpu.memory_space<vmem>>, vector<16xf32>,
        %add3A_1307 = arith.addf %get3A_1306, %add3A_654 : vector<16xf32>
        %swap3A_1308 = arith.index_cast %add3A_687 : i32 to index
        %swap3A_1309 = tpu.vector_load %arg9[%swap3A_1308] {strides = array<i32>} : memref<256xf32, #tpu.memory_space<vmem>>, vector<16xf32>,
        tpu.vector_store %arg9[%swap3A_1308], %add3A_1307 {strides = array<i32>} : memref<256xf32, #tpu.memory_space<vmem>>, vector<16xf32>,
      } else {
      }
      %add3A_698 = arith.constant 8 : i32
      %add3A_699 = arith.addi %add3A_559, %add3A_698 : i32
      %lt3A_700 = arith.constant 200 : i32
      %lt3A_701 = arith.cmpi slt, %add3A_699, %lt3A_700 : i32
      %convert_element_type3A_702 = arith.extui %lt3A_701 : i1 to i32
      %cond3A_703 = arith.constant 0 : i32
      %cond3A_704 = arith.cmpi ne, %convert_element_type3A_702, %cond3A_703 : i32
      scf.if %cond3A_704 {
        %add3A_1301 = arith.constant 8 : i32
        %add3A_1302 = arith.addi %add3A_559, %add3A_1301 : i32
        %dma_start3A_1303 = arith.constant 3 : i32
        %dma_start3A_1304 = arith.constant 0 : i32
        %dma_start3A_1305 = tpu.memref_slice %arg7[%dma_start3A_1303, %dma_start3A_1304] : memref<8x128xi32, #tpu.memory_space<vmem>> -> memref<1x128xi32, #tpu.memory_space<vmem>>
        %dma_start3A_1306 = tpu.memref_squeeze %dma_start3A_1305 : memref<1x128xi32, #tpu.memory_space<vmem>> -> memref<128xi32, #tpu.memory_space<vmem>>
        %dma_start3A_1307 = arith.constant 0 : i32
        %dma_start3A_1308 = tpu.memref_slice %arg6[%add3A_1302, %dma_start3A_1307] : memref<200x128xi32, #tpu.memory_space<vmem>> -> memref<1x128xi32, #tpu.memory_space<vmem>>
        %dma_start3A_1309 = tpu.memref_squeeze %dma_start3A_1308 : memref<1x128xi32, #tpu.memory_space<vmem>> -> memref<128xi32, #tpu.memory_space<vmem>>
        %dma_start3A_1310 = arith.constant 0 : i32
        %dma_start3A_1311 = tpu.memref_slice %arg2[%dma_start3A_1310] : memref<100000xi32, #tpu.memory_space<hbm>> -> memref<100000xi32, #tpu.memory_space<hbm>>
        tpu.enqueue_indirect_dma source(%dma_start3A_1311 : memref<100000xi32, #tpu.memory_space<hbm>>) target(%dma_start3A_1306 : memref<128xi32, #tpu.memory_space<vmem>>) offsets(%dma_start3A_1309 : memref<128xi32, #tpu.memory_space<vmem>>) semaphore(%arg13 : memref<!tpu.dma_semaphore, #tpu.memory_space<semaphore_mem>>)
      } else {
      }
      %mul3A_705 = arith.constant 8 : i32
      %mul3A_706 = arith.muli %scan3A_124, %mul3A_705 : i32
      %add3A_707 = arith.constant 4 : i32
      %add3A_708 = arith.addi %mul3A_706, %add3A_707 : i32
      %dma_wait3A_709 = arith.constant 4 : i32
      %dma_wait3A_710 = arith.constant 0 : i32
      %dma_wait3A_711 = tpu.memref_slice %arg7[%dma_wait3A_709, %dma_wait3A_710] : memref<8x128xi32, #tpu.memory_space<vmem>> -> memref<1x128xi32, #tpu.memory_space<vmem>>
      %dma_wait3A_712 = tpu.memref_squeeze %dma_wait3A_711 : memref<1x128xi32, #tpu.memory_space<vmem>> -> memref<128xi32, #tpu.memory_space<vmem>>
      %dma_wait3A_713 = arith.constant 0 : i32
      %dma_wait3A_714 = tpu.memref_slice %arg6[%add3A_708, %dma_wait3A_713] : memref<200x128xi32, #tpu.memory_space<vmem>> -> memref<1x128xi32, #tpu.memory_space<vmem>>
      %dma_wait3A_715 = tpu.memref_squeeze %dma_wait3A_714 : memref<1x128xi32, #tpu.memory_space<vmem>> -> memref<128xi32, #tpu.memory_space<vmem>>
      %dma_wait3A_716 = arith.constant 0 : i32
      %dma_wait3A_717 = tpu.memref_slice %arg2[%dma_wait3A_716] : memref<100000xi32, #tpu.memory_space<hbm>> -> memref<100000xi32, #tpu.memory_space<hbm>>
      tpu.wait_indirect_dma semaphore(%arg14 : memref<!tpu.dma_semaphore, #tpu.memory_space<semaphore_mem>>) src(%dma_wait3A_717 : memref<100000xi32, #tpu.memory_space<hbm>>) dst(%dma_wait3A_712 : memref<128xi32, #tpu.memory_space<vmem>>)
      %gather3A_718 = arith.constant 4 : i32
      %gather3A_719 = arith.constant 0 : i32
      %gather3A_720 = tpu.memref_slice %arg7[%gather3A_718, %gather3A_719] : memref<8x128xi32, #tpu.memory_space<vmem>> -> memref<1x128xi32, #tpu.memory_space<vmem>>
      %gather3A_721 = tpu.memref_squeeze %gather3A_720 : memref<1x128xi32, #tpu.memory_space<vmem>> -> memref<128xi32, #tpu.memory_space<vmem>>
      %gather3A_722 = tpu.vector_load_idx %gather3A_721[%get3A_3] : memref<128xi32, #tpu.memory_space<vmem>>[vector<16xi32>], vector<16xi32>,
      %and3A_723 = arith.andi %gather3A_722, %get3A_35 : vector<16xi32>
      %bitcast3A_724 = vector.bitcast %and3A_723 : vector<16xi32> to vector<16xf32>
      %shift_left3A_725 = arith.shli %gather3A_722, %get3A_39 : vector<16xi32>
      %bitcast3A_726 = vector.bitcast %shift_left3A_725 : vector<16xi32> to vector<16xf32>
      %gather3A_727 = arith.constant 4 : i32
      %gather3A_728 = arith.constant 0 : i32
      %gather3A_729 = tpu.memref_slice %arg7[%gather3A_727, %gather3A_728] : memref<8x128xi32, #tpu.memory_space<vmem>> -> memref<1x128xi32, #tpu.memory_space<vmem>>
      %gather3A_730 = tpu.memref_squeeze %gather3A_729 : memref<1x128xi32, #tpu.memory_space<vmem>> -> memref<128xi32, #tpu.memory_space<vmem>>
      %gather3A_731 = tpu.vector_load_idx %gather3A_730[%get3A_7] : memref<128xi32, #tpu.memory_space<vmem>>[vector<16xi32>], vector<16xi32>,
      %and3A_732 = arith.andi %gather3A_731, %get3A_35 : vector<16xi32>
      %bitcast3A_733 = vector.bitcast %and3A_732 : vector<16xi32> to vector<16xf32>
      %add3A_734 = arith.addf %bitcast3A_724, %bitcast3A_733 : vector<16xf32>
      %shift_left3A_735 = arith.shli %gather3A_731, %get3A_39 : vector<16xi32>
      %bitcast3A_736 = vector.bitcast %shift_left3A_735 : vector<16xi32> to vector<16xf32>
      %add3A_737 = arith.addf %bitcast3A_726, %bitcast3A_736 : vector<16xf32>
      %gather3A_738 = arith.constant 4 : i32
      %gather3A_739 = arith.constant 0 : i32
      %gather3A_740 = tpu.memref_slice %arg7[%gather3A_738, %gather3A_739] : memref<8x128xi32, #tpu.memory_space<vmem>> -> memref<1x128xi32, #tpu.memory_space<vmem>>
      %gather3A_741 = tpu.memref_squeeze %gather3A_740 : memref<1x128xi32, #tpu.memory_space<vmem>> -> memref<128xi32, #tpu.memory_space<vmem>>
      %gather3A_742 = tpu.vector_load_idx %gather3A_741[%get3A_11] : memref<128xi32, #tpu.memory_space<vmem>>[vector<16xi32>], vector<16xi32>,
      %and3A_743 = arith.andi %gather3A_742, %get3A_35 : vector<16xi32>
      %bitcast3A_744 = vector.bitcast %and3A_743 : vector<16xi32> to vector<16xf32>
      %add3A_745 = arith.addf %add3A_734, %bitcast3A_744 : vector<16xf32>
      %shift_left3A_746 = arith.shli %gather3A_742, %get3A_39 : vector<16xi32>
      %bitcast3A_747 = vector.bitcast %shift_left3A_746 : vector<16xi32> to vector<16xf32>
      %add3A_748 = arith.addf %add3A_737, %bitcast3A_747 : vector<16xf32>
      %gather3A_749 = arith.constant 4 : i32
      %gather3A_750 = arith.constant 0 : i32
      %gather3A_751 = tpu.memref_slice %arg7[%gather3A_749, %gather3A_750] : memref<8x128xi32, #tpu.memory_space<vmem>> -> memref<1x128xi32, #tpu.memory_space<vmem>>
      %gather3A_752 = tpu.memref_squeeze %gather3A_751 : memref<1x128xi32, #tpu.memory_space<vmem>> -> memref<128xi32, #tpu.memory_space<vmem>>
      %gather3A_753 = tpu.vector_load_idx %gather3A_752[%get3A_15] : memref<128xi32, #tpu.memory_space<vmem>>[vector<16xi32>], vector<16xi32>,
      %and3A_754 = arith.andi %gather3A_753, %get3A_35 : vector<16xi32>
      %bitcast3A_755 = vector.bitcast %and3A_754 : vector<16xi32> to vector<16xf32>
      %add3A_756 = arith.addf %add3A_745, %bitcast3A_755 : vector<16xf32>
      %shift_left3A_757 = arith.shli %gather3A_753, %get3A_39 : vector<16xi32>
      %bitcast3A_758 = vector.bitcast %shift_left3A_757 : vector<16xi32> to vector<16xf32>
      %add3A_759 = arith.addf %add3A_748, %bitcast3A_758 : vector<16xf32>
      %gather3A_760 = arith.constant 4 : i32
      %gather3A_761 = arith.constant 0 : i32
      %gather3A_762 = tpu.memref_slice %arg7[%gather3A_760, %gather3A_761] : memref<8x128xi32, #tpu.memory_space<vmem>> -> memref<1x128xi32, #tpu.memory_space<vmem>>
      %gather3A_763 = tpu.memref_squeeze %gather3A_762 : memref<1x128xi32, #tpu.memory_space<vmem>> -> memref<128xi32, #tpu.memory_space<vmem>>
      %gather3A_764 = tpu.vector_load_idx %gather3A_763[%get3A_19] : memref<128xi32, #tpu.memory_space<vmem>>[vector<16xi32>], vector<16xi32>,
      %and3A_765 = arith.andi %gather3A_764, %get3A_35 : vector<16xi32>
      %bitcast3A_766 = vector.bitcast %and3A_765 : vector<16xi32> to vector<16xf32>
      %add3A_767 = arith.addf %add3A_756, %bitcast3A_766 : vector<16xf32>
      %shift_left3A_768 = arith.shli %gather3A_764, %get3A_39 : vector<16xi32>
      %bitcast3A_769 = vector.bitcast %shift_left3A_768 : vector<16xi32> to vector<16xf32>
      %add3A_770 = arith.addf %add3A_759, %bitcast3A_769 : vector<16xf32>
      %gather3A_771 = arith.constant 4 : i32
      %gather3A_772 = arith.constant 0 : i32
      %gather3A_773 = tpu.memref_slice %arg7[%gather3A_771, %gather3A_772] : memref<8x128xi32, #tpu.memory_space<vmem>> -> memref<1x128xi32, #tpu.memory_space<vmem>>
      %gather3A_774 = tpu.memref_squeeze %gather3A_773 : memref<1x128xi32, #tpu.memory_space<vmem>> -> memref<128xi32, #tpu.memory_space<vmem>>
      %gather3A_775 = tpu.vector_load_idx %gather3A_774[%get3A_23] : memref<128xi32, #tpu.memory_space<vmem>>[vector<16xi32>], vector<16xi32>,
      %and3A_776 = arith.andi %gather3A_775, %get3A_35 : vector<16xi32>
      %bitcast3A_777 = vector.bitcast %and3A_776 : vector<16xi32> to vector<16xf32>
      %add3A_778 = arith.addf %add3A_767, %bitcast3A_777 : vector<16xf32>
      %shift_left3A_779 = arith.shli %gather3A_775, %get3A_39 : vector<16xi32>
      %bitcast3A_780 = vector.bitcast %shift_left3A_779 : vector<16xi32> to vector<16xf32>
      %add3A_781 = arith.addf %add3A_770, %bitcast3A_780 : vector<16xf32>
      %gather3A_782 = arith.constant 4 : i32
      %gather3A_783 = arith.constant 0 : i32
      %gather3A_784 = tpu.memref_slice %arg7[%gather3A_782, %gather3A_783] : memref<8x128xi32, #tpu.memory_space<vmem>> -> memref<1x128xi32, #tpu.memory_space<vmem>>
      %gather3A_785 = tpu.memref_squeeze %gather3A_784 : memref<1x128xi32, #tpu.memory_space<vmem>> -> memref<128xi32, #tpu.memory_space<vmem>>
      %gather3A_786 = tpu.vector_load_idx %gather3A_785[%get3A_27] : memref<128xi32, #tpu.memory_space<vmem>>[vector<16xi32>], vector<16xi32>,
      %and3A_787 = arith.andi %gather3A_786, %get3A_35 : vector<16xi32>
      %bitcast3A_788 = vector.bitcast %and3A_787 : vector<16xi32> to vector<16xf32>
      %add3A_789 = arith.addf %add3A_778, %bitcast3A_788 : vector<16xf32>
      %shift_left3A_790 = arith.shli %gather3A_786, %get3A_39 : vector<16xi32>
      %bitcast3A_791 = vector.bitcast %shift_left3A_790 : vector<16xi32> to vector<16xf32>
      %add3A_792 = arith.addf %add3A_781, %bitcast3A_791 : vector<16xf32>
      %gather3A_793 = arith.constant 4 : i32
      %gather3A_794 = arith.constant 0 : i32
      %gather3A_795 = tpu.memref_slice %arg7[%gather3A_793, %gather3A_794] : memref<8x128xi32, #tpu.memory_space<vmem>> -> memref<1x128xi32, #tpu.memory_space<vmem>>
      %gather3A_796 = tpu.memref_squeeze %gather3A_795 : memref<1x128xi32, #tpu.memory_space<vmem>> -> memref<128xi32, #tpu.memory_space<vmem>>
      %gather3A_797 = tpu.vector_load_idx %gather3A_796[%get3A_31] : memref<128xi32, #tpu.memory_space<vmem>>[vector<16xi32>], vector<16xi32>,
      %and3A_798 = arith.andi %gather3A_797, %get3A_35 : vector<16xi32>
      %bitcast3A_799 = vector.bitcast %and3A_798 : vector<16xi32> to vector<16xf32>
      %add3A_800 = arith.addf %add3A_789, %bitcast3A_799 : vector<16xf32>
      %shift_left3A_801 = arith.shli %gather3A_797, %get3A_39 : vector<16xi32>
      %bitcast3A_802 = vector.bitcast %shift_left3A_801 : vector<16xi32> to vector<16xf32>
      %add3A_803 = arith.addf %add3A_792, %bitcast3A_802 : vector<16xf32>
      %jit3A_804 = arith.constant 25 : i32
      %div3A_805 = arith.divsi %add3A_708, %jit3A_804 : i32
      %sign3A_806 = arith.constant 0 : i32
      %sign3A_807 = arith.cmpi sgt, %add3A_708, %sign3A_806 : i32
      %sign3A_808 = arith.extui %sign3A_807 : i1 to i32
      %sign3A_809 = arith.constant 0 : i32
      %sign3A_810 = arith.cmpi slt, %add3A_708, %sign3A_809 : i32
      %sign3A_811 = arith.extui %sign3A_810 : i1 to i32
      %sign3A_812 = arith.subi %sign3A_808, %sign3A_811 : i32
      %sign3A_813 = arith.constant 0 : i32
      %sign3A_814 = arith.cmpi sgt, %jit3A_804, %sign3A_813 : i32
      %sign3A_815 = arith.extui %sign3A_814 : i1 to i32
      %sign3A_816 = arith.constant 0 : i32
      %sign3A_817 = arith.cmpi slt, %jit3A_804, %sign3A_816 : i32
      %sign3A_818 = arith.extui %sign3A_817 : i1 to i32
      %sign3A_819 = arith.subi %sign3A_815, %sign3A_818 : i32
      %ne3A_820 = arith.cmpi ne, %sign3A_812, %sign3A_819 : i32
      %rem3A_821 = arith.remsi %add3A_708, %jit3A_804 : i32
      %ne3A_822 = arith.constant 0 : i32
      %ne3A_823 = arith.cmpi ne, %rem3A_821, %ne3A_822 : i32
      %and3A_824 = arith.andi %ne3A_820, %ne3A_823 : i1
      %sub3A_825 = arith.constant 1 : i32
      %sub3A_826 = arith.subi %div3A_805, %sub3A_825 : i32
      %select_n3A_827 = arith.select %and3A_824, %sub3A_826, %div3A_805 : i32
      %mul3A_828 = arith.constant 25 : i32
      %mul3A_829 = arith.muli %select_n3A_827, %mul3A_828 : i32
      %sub3A_830 = arith.subi %add3A_708, %mul3A_829 : i32
      %mul3A_831 = arith.constant 16 : i32
      %mul3A_832 = arith.muli %select_n3A_827, %mul3A_831 : i32
      %mul3A_833 = arith.constant 16 : i32
      %mul3A_834 = arith.muli %select_n3A_827, %mul3A_833 : i32
      %add3A_835 = arith.constant 128 : i32
      %add3A_836 = arith.addi %add3A_835, %mul3A_834 : i32
      %eq3A_837 = arith.constant 0 : i32
      %eq3A_838 = arith.cmpi eq, %sub3A_830, %eq3A_837 : i32
      %convert_element_type3A_839 = arith.extui %eq3A_838 : i1 to i32
      %cond3A_840 = arith.constant 0 : i32
      %cond3A_841 = arith.cmpi ne, %convert_element_type3A_839, %cond3A_840 : i32
      scf.if %cond3A_841 {
        %swap3A = arith.index_cast %mul3A_832 : i32 to index
        %swap3A_1301 = tpu.vector_load %arg9[%swap3A] {strides = array<i32>} : memref<256xf32, #tpu.memory_space<vmem>>, vector<16xf32>,
        tpu.vector_store %arg9[%swap3A], %add3A_800 {strides = array<i32>} : memref<256xf32, #tpu.memory_space<vmem>>, vector<16xf32>,
        %swap3A_1302 = arith.index_cast %add3A_836 : i32 to index
        %swap3A_1303 = tpu.vector_load %arg9[%swap3A_1302] {strides = array<i32>} : memref<256xf32, #tpu.memory_space<vmem>>, vector<16xf32>,
        tpu.vector_store %arg9[%swap3A_1302], %add3A_803 {strides = array<i32>} : memref<256xf32, #tpu.memory_space<vmem>>, vector<16xf32>,
      } else {
      }
      %ne3A_842 = arith.constant 0 : i32
      %ne3A_843 = arith.cmpi ne, %sub3A_830, %ne3A_842 : i32
      %convert_element_type3A_844 = arith.extui %ne3A_843 : i1 to i32
      %cond3A_845 = arith.constant 0 : i32
      %cond3A_846 = arith.cmpi ne, %convert_element_type3A_844, %cond3A_845 : i32
      scf.if %cond3A_846 {
        %get3A_1301 = arith.index_cast %mul3A_832 : i32 to index
        %get3A_1302 = tpu.vector_load %arg9[%get3A_1301] {strides = array<i32>} : memref<256xf32, #tpu.memory_space<vmem>>, vector<16xf32>,
        %add3A_1303 = arith.addf %get3A_1302, %add3A_800 : vector<16xf32>
        %swap3A = arith.index_cast %mul3A_832 : i32 to index
        %swap3A_1304 = tpu.vector_load %arg9[%swap3A] {strides = array<i32>} : memref<256xf32, #tpu.memory_space<vmem>>, vector<16xf32>,
        tpu.vector_store %arg9[%swap3A], %add3A_1303 {strides = array<i32>} : memref<256xf32, #tpu.memory_space<vmem>>, vector<16xf32>,
        %get3A_1305 = arith.index_cast %add3A_836 : i32 to index
        %get3A_1306 = tpu.vector_load %arg9[%get3A_1305] {strides = array<i32>} : memref<256xf32, #tpu.memory_space<vmem>>, vector<16xf32>,
        %add3A_1307 = arith.addf %get3A_1306, %add3A_803 : vector<16xf32>
        %swap3A_1308 = arith.index_cast %add3A_836 : i32 to index
        %swap3A_1309 = tpu.vector_load %arg9[%swap3A_1308] {strides = array<i32>} : memref<256xf32, #tpu.memory_space<vmem>>, vector<16xf32>,
        tpu.vector_store %arg9[%swap3A_1308], %add3A_1307 {strides = array<i32>} : memref<256xf32, #tpu.memory_space<vmem>>, vector<16xf32>,
      } else {
      }
      %add3A_847 = arith.constant 8 : i32
      %add3A_848 = arith.addi %add3A_708, %add3A_847 : i32
      %lt3A_849 = arith.constant 200 : i32
      %lt3A_850 = arith.cmpi slt, %add3A_848, %lt3A_849 : i32
      %convert_element_type3A_851 = arith.extui %lt3A_850 : i1 to i32
      %cond3A_852 = arith.constant 0 : i32
      %cond3A_853 = arith.cmpi ne, %convert_element_type3A_851, %cond3A_852 : i32
      scf.if %cond3A_853 {
        %add3A_1301 = arith.constant 8 : i32
        %add3A_1302 = arith.addi %add3A_708, %add3A_1301 : i32
        %dma_start3A_1303 = arith.constant 4 : i32
        %dma_start3A_1304 = arith.constant 0 : i32
        %dma_start3A_1305 = tpu.memref_slice %arg7[%dma_start3A_1303, %dma_start3A_1304] : memref<8x128xi32, #tpu.memory_space<vmem>> -> memref<1x128xi32, #tpu.memory_space<vmem>>
        %dma_start3A_1306 = tpu.memref_squeeze %dma_start3A_1305 : memref<1x128xi32, #tpu.memory_space<vmem>> -> memref<128xi32, #tpu.memory_space<vmem>>
        %dma_start3A_1307 = arith.constant 0 : i32
        %dma_start3A_1308 = tpu.memref_slice %arg6[%add3A_1302, %dma_start3A_1307] : memref<200x128xi32, #tpu.memory_space<vmem>> -> memref<1x128xi32, #tpu.memory_space<vmem>>
        %dma_start3A_1309 = tpu.memref_squeeze %dma_start3A_1308 : memref<1x128xi32, #tpu.memory_space<vmem>> -> memref<128xi32, #tpu.memory_space<vmem>>
        %dma_start3A_1310 = arith.constant 0 : i32
        %dma_start3A_1311 = tpu.memref_slice %arg2[%dma_start3A_1310] : memref<100000xi32, #tpu.memory_space<hbm>> -> memref<100000xi32, #tpu.memory_space<hbm>>
        tpu.enqueue_indirect_dma source(%dma_start3A_1311 : memref<100000xi32, #tpu.memory_space<hbm>>) target(%dma_start3A_1306 : memref<128xi32, #tpu.memory_space<vmem>>) offsets(%dma_start3A_1309 : memref<128xi32, #tpu.memory_space<vmem>>) semaphore(%arg14 : memref<!tpu.dma_semaphore, #tpu.memory_space<semaphore_mem>>)
      } else {
      }
      %mul3A_854 = arith.constant 8 : i32
      %mul3A_855 = arith.muli %scan3A_124, %mul3A_854 : i32
      %add3A_856 = arith.constant 5 : i32
      %add3A_857 = arith.addi %mul3A_855, %add3A_856 : i32
      %dma_wait3A_858 = arith.constant 5 : i32
      %dma_wait3A_859 = arith.constant 0 : i32
      %dma_wait3A_860 = tpu.memref_slice %arg7[%dma_wait3A_858, %dma_wait3A_859] : memref<8x128xi32, #tpu.memory_space<vmem>> -> memref<1x128xi32, #tpu.memory_space<vmem>>
      %dma_wait3A_861 = tpu.memref_squeeze %dma_wait3A_860 : memref<1x128xi32, #tpu.memory_space<vmem>> -> memref<128xi32, #tpu.memory_space<vmem>>
      %dma_wait3A_862 = arith.constant 0 : i32
      %dma_wait3A_863 = tpu.memref_slice %arg6[%add3A_857, %dma_wait3A_862] : memref<200x128xi32, #tpu.memory_space<vmem>> -> memref<1x128xi32, #tpu.memory_space<vmem>>
      %dma_wait3A_864 = tpu.memref_squeeze %dma_wait3A_863 : memref<1x128xi32, #tpu.memory_space<vmem>> -> memref<128xi32, #tpu.memory_space<vmem>>
      %dma_wait3A_865 = arith.constant 0 : i32
      %dma_wait3A_866 = tpu.memref_slice %arg2[%dma_wait3A_865] : memref<100000xi32, #tpu.memory_space<hbm>> -> memref<100000xi32, #tpu.memory_space<hbm>>
      tpu.wait_indirect_dma semaphore(%arg15 : memref<!tpu.dma_semaphore, #tpu.memory_space<semaphore_mem>>) src(%dma_wait3A_866 : memref<100000xi32, #tpu.memory_space<hbm>>) dst(%dma_wait3A_861 : memref<128xi32, #tpu.memory_space<vmem>>)
      %gather3A_867 = arith.constant 5 : i32
      %gather3A_868 = arith.constant 0 : i32
      %gather3A_869 = tpu.memref_slice %arg7[%gather3A_867, %gather3A_868] : memref<8x128xi32, #tpu.memory_space<vmem>> -> memref<1x128xi32, #tpu.memory_space<vmem>>
      %gather3A_870 = tpu.memref_squeeze %gather3A_869 : memref<1x128xi32, #tpu.memory_space<vmem>> -> memref<128xi32, #tpu.memory_space<vmem>>
      %gather3A_871 = tpu.vector_load_idx %gather3A_870[%get3A_3] : memref<128xi32, #tpu.memory_space<vmem>>[vector<16xi32>], vector<16xi32>,
      %and3A_872 = arith.andi %gather3A_871, %get3A_35 : vector<16xi32>
      %bitcast3A_873 = vector.bitcast %and3A_872 : vector<16xi32> to vector<16xf32>
      %shift_left3A_874 = arith.shli %gather3A_871, %get3A_39 : vector<16xi32>
      %bitcast3A_875 = vector.bitcast %shift_left3A_874 : vector<16xi32> to vector<16xf32>
      %gather3A_876 = arith.constant 5 : i32
      %gather3A_877 = arith.constant 0 : i32
      %gather3A_878 = tpu.memref_slice %arg7[%gather3A_876, %gather3A_877] : memref<8x128xi32, #tpu.memory_space<vmem>> -> memref<1x128xi32, #tpu.memory_space<vmem>>
      %gather3A_879 = tpu.memref_squeeze %gather3A_878 : memref<1x128xi32, #tpu.memory_space<vmem>> -> memref<128xi32, #tpu.memory_space<vmem>>
      %gather3A_880 = tpu.vector_load_idx %gather3A_879[%get3A_7] : memref<128xi32, #tpu.memory_space<vmem>>[vector<16xi32>], vector<16xi32>,
      %and3A_881 = arith.andi %gather3A_880, %get3A_35 : vector<16xi32>
      %bitcast3A_882 = vector.bitcast %and3A_881 : vector<16xi32> to vector<16xf32>
      %add3A_883 = arith.addf %bitcast3A_873, %bitcast3A_882 : vector<16xf32>
      %shift_left3A_884 = arith.shli %gather3A_880, %get3A_39 : vector<16xi32>
      %bitcast3A_885 = vector.bitcast %shift_left3A_884 : vector<16xi32> to vector<16xf32>
      %add3A_886 = arith.addf %bitcast3A_875, %bitcast3A_885 : vector<16xf32>
      %gather3A_887 = arith.constant 5 : i32
      %gather3A_888 = arith.constant 0 : i32
      %gather3A_889 = tpu.memref_slice %arg7[%gather3A_887, %gather3A_888] : memref<8x128xi32, #tpu.memory_space<vmem>> -> memref<1x128xi32, #tpu.memory_space<vmem>>
      %gather3A_890 = tpu.memref_squeeze %gather3A_889 : memref<1x128xi32, #tpu.memory_space<vmem>> -> memref<128xi32, #tpu.memory_space<vmem>>
      %gather3A_891 = tpu.vector_load_idx %gather3A_890[%get3A_11] : memref<128xi32, #tpu.memory_space<vmem>>[vector<16xi32>], vector<16xi32>,
      %and3A_892 = arith.andi %gather3A_891, %get3A_35 : vector<16xi32>
      %bitcast3A_893 = vector.bitcast %and3A_892 : vector<16xi32> to vector<16xf32>
      %add3A_894 = arith.addf %add3A_883, %bitcast3A_893 : vector<16xf32>
      %shift_left3A_895 = arith.shli %gather3A_891, %get3A_39 : vector<16xi32>
      %bitcast3A_896 = vector.bitcast %shift_left3A_895 : vector<16xi32> to vector<16xf32>
      %add3A_897 = arith.addf %add3A_886, %bitcast3A_896 : vector<16xf32>
      %gather3A_898 = arith.constant 5 : i32
      %gather3A_899 = arith.constant 0 : i32
      %gather3A_900 = tpu.memref_slice %arg7[%gather3A_898, %gather3A_899] : memref<8x128xi32, #tpu.memory_space<vmem>> -> memref<1x128xi32, #tpu.memory_space<vmem>>
      %gather3A_901 = tpu.memref_squeeze %gather3A_900 : memref<1x128xi32, #tpu.memory_space<vmem>> -> memref<128xi32, #tpu.memory_space<vmem>>
      %gather3A_902 = tpu.vector_load_idx %gather3A_901[%get3A_15] : memref<128xi32, #tpu.memory_space<vmem>>[vector<16xi32>], vector<16xi32>,
      %and3A_903 = arith.andi %gather3A_902, %get3A_35 : vector<16xi32>
      %bitcast3A_904 = vector.bitcast %and3A_903 : vector<16xi32> to vector<16xf32>
      %add3A_905 = arith.addf %add3A_894, %bitcast3A_904 : vector<16xf32>
      %shift_left3A_906 = arith.shli %gather3A_902, %get3A_39 : vector<16xi32>
      %bitcast3A_907 = vector.bitcast %shift_left3A_906 : vector<16xi32> to vector<16xf32>
      %add3A_908 = arith.addf %add3A_897, %bitcast3A_907 : vector<16xf32>
      %gather3A_909 = arith.constant 5 : i32
      %gather3A_910 = arith.constant 0 : i32
      %gather3A_911 = tpu.memref_slice %arg7[%gather3A_909, %gather3A_910] : memref<8x128xi32, #tpu.memory_space<vmem>> -> memref<1x128xi32, #tpu.memory_space<vmem>>
      %gather3A_912 = tpu.memref_squeeze %gather3A_911 : memref<1x128xi32, #tpu.memory_space<vmem>> -> memref<128xi32, #tpu.memory_space<vmem>>
      %gather3A_913 = tpu.vector_load_idx %gather3A_912[%get3A_19] : memref<128xi32, #tpu.memory_space<vmem>>[vector<16xi32>], vector<16xi32>,
      %and3A_914 = arith.andi %gather3A_913, %get3A_35 : vector<16xi32>
      %bitcast3A_915 = vector.bitcast %and3A_914 : vector<16xi32> to vector<16xf32>
      %add3A_916 = arith.addf %add3A_905, %bitcast3A_915 : vector<16xf32>
      %shift_left3A_917 = arith.shli %gather3A_913, %get3A_39 : vector<16xi32>
      %bitcast3A_918 = vector.bitcast %shift_left3A_917 : vector<16xi32> to vector<16xf32>
      %add3A_919 = arith.addf %add3A_908, %bitcast3A_918 : vector<16xf32>
      %gather3A_920 = arith.constant 5 : i32
      %gather3A_921 = arith.constant 0 : i32
      %gather3A_922 = tpu.memref_slice %arg7[%gather3A_920, %gather3A_921] : memref<8x128xi32, #tpu.memory_space<vmem>> -> memref<1x128xi32, #tpu.memory_space<vmem>>
      %gather3A_923 = tpu.memref_squeeze %gather3A_922 : memref<1x128xi32, #tpu.memory_space<vmem>> -> memref<128xi32, #tpu.memory_space<vmem>>
      %gather3A_924 = tpu.vector_load_idx %gather3A_923[%get3A_23] : memref<128xi32, #tpu.memory_space<vmem>>[vector<16xi32>], vector<16xi32>,
      %and3A_925 = arith.andi %gather3A_924, %get3A_35 : vector<16xi32>
      %bitcast3A_926 = vector.bitcast %and3A_925 : vector<16xi32> to vector<16xf32>
      %add3A_927 = arith.addf %add3A_916, %bitcast3A_926 : vector<16xf32>
      %shift_left3A_928 = arith.shli %gather3A_924, %get3A_39 : vector<16xi32>
      %bitcast3A_929 = vector.bitcast %shift_left3A_928 : vector<16xi32> to vector<16xf32>
      %add3A_930 = arith.addf %add3A_919, %bitcast3A_929 : vector<16xf32>
      %gather3A_931 = arith.constant 5 : i32
      %gather3A_932 = arith.constant 0 : i32
      %gather3A_933 = tpu.memref_slice %arg7[%gather3A_931, %gather3A_932] : memref<8x128xi32, #tpu.memory_space<vmem>> -> memref<1x128xi32, #tpu.memory_space<vmem>>
      %gather3A_934 = tpu.memref_squeeze %gather3A_933 : memref<1x128xi32, #tpu.memory_space<vmem>> -> memref<128xi32, #tpu.memory_space<vmem>>
      %gather3A_935 = tpu.vector_load_idx %gather3A_934[%get3A_27] : memref<128xi32, #tpu.memory_space<vmem>>[vector<16xi32>], vector<16xi32>,
      %and3A_936 = arith.andi %gather3A_935, %get3A_35 : vector<16xi32>
      %bitcast3A_937 = vector.bitcast %and3A_936 : vector<16xi32> to vector<16xf32>
      %add3A_938 = arith.addf %add3A_927, %bitcast3A_937 : vector<16xf32>
      %shift_left3A_939 = arith.shli %gather3A_935, %get3A_39 : vector<16xi32>
      %bitcast3A_940 = vector.bitcast %shift_left3A_939 : vector<16xi32> to vector<16xf32>
      %add3A_941 = arith.addf %add3A_930, %bitcast3A_940 : vector<16xf32>
      %gather3A_942 = arith.constant 5 : i32
      %gather3A_943 = arith.constant 0 : i32
      %gather3A_944 = tpu.memref_slice %arg7[%gather3A_942, %gather3A_943] : memref<8x128xi32, #tpu.memory_space<vmem>> -> memref<1x128xi32, #tpu.memory_space<vmem>>
      %gather3A_945 = tpu.memref_squeeze %gather3A_944 : memref<1x128xi32, #tpu.memory_space<vmem>> -> memref<128xi32, #tpu.memory_space<vmem>>
      %gather3A_946 = tpu.vector_load_idx %gather3A_945[%get3A_31] : memref<128xi32, #tpu.memory_space<vmem>>[vector<16xi32>], vector<16xi32>,
      %and3A_947 = arith.andi %gather3A_946, %get3A_35 : vector<16xi32>
      %bitcast3A_948 = vector.bitcast %and3A_947 : vector<16xi32> to vector<16xf32>
      %add3A_949 = arith.addf %add3A_938, %bitcast3A_948 : vector<16xf32>
      %shift_left3A_950 = arith.shli %gather3A_946, %get3A_39 : vector<16xi32>
      %bitcast3A_951 = vector.bitcast %shift_left3A_950 : vector<16xi32> to vector<16xf32>
      %add3A_952 = arith.addf %add3A_941, %bitcast3A_951 : vector<16xf32>
      %jit3A_953 = arith.constant 25 : i32
      %div3A_954 = arith.divsi %add3A_857, %jit3A_953 : i32
      %sign3A_955 = arith.constant 0 : i32
      %sign3A_956 = arith.cmpi sgt, %add3A_857, %sign3A_955 : i32
      %sign3A_957 = arith.extui %sign3A_956 : i1 to i32
      %sign3A_958 = arith.constant 0 : i32
      %sign3A_959 = arith.cmpi slt, %add3A_857, %sign3A_958 : i32
      %sign3A_960 = arith.extui %sign3A_959 : i1 to i32
      %sign3A_961 = arith.subi %sign3A_957, %sign3A_960 : i32
      %sign3A_962 = arith.constant 0 : i32
      %sign3A_963 = arith.cmpi sgt, %jit3A_953, %sign3A_962 : i32
      %sign3A_964 = arith.extui %sign3A_963 : i1 to i32
      %sign3A_965 = arith.constant 0 : i32
      %sign3A_966 = arith.cmpi slt, %jit3A_953, %sign3A_965 : i32
      %sign3A_967 = arith.extui %sign3A_966 : i1 to i32
      %sign3A_968 = arith.subi %sign3A_964, %sign3A_967 : i32
      %ne3A_969 = arith.cmpi ne, %sign3A_961, %sign3A_968 : i32
      %rem3A_970 = arith.remsi %add3A_857, %jit3A_953 : i32
      %ne3A_971 = arith.constant 0 : i32
      %ne3A_972 = arith.cmpi ne, %rem3A_970, %ne3A_971 : i32
      %and3A_973 = arith.andi %ne3A_969, %ne3A_972 : i1
      %sub3A_974 = arith.constant 1 : i32
      %sub3A_975 = arith.subi %div3A_954, %sub3A_974 : i32
      %select_n3A_976 = arith.select %and3A_973, %sub3A_975, %div3A_954 : i32
      %mul3A_977 = arith.constant 25 : i32
      %mul3A_978 = arith.muli %select_n3A_976, %mul3A_977 : i32
      %sub3A_979 = arith.subi %add3A_857, %mul3A_978 : i32
      %mul3A_980 = arith.constant 16 : i32
      %mul3A_981 = arith.muli %select_n3A_976, %mul3A_980 : i32
      %mul3A_982 = arith.constant 16 : i32
      %mul3A_983 = arith.muli %select_n3A_976, %mul3A_982 : i32
      %add3A_984 = arith.constant 128 : i32
      %add3A_985 = arith.addi %add3A_984, %mul3A_983 : i32
      %eq3A_986 = arith.constant 0 : i32
      %eq3A_987 = arith.cmpi eq, %sub3A_979, %eq3A_986 : i32
      %convert_element_type3A_988 = arith.extui %eq3A_987 : i1 to i32
      %cond3A_989 = arith.constant 0 : i32
      %cond3A_990 = arith.cmpi ne, %convert_element_type3A_988, %cond3A_989 : i32
      scf.if %cond3A_990 {
        %swap3A = arith.index_cast %mul3A_981 : i32 to index
        %swap3A_1301 = tpu.vector_load %arg9[%swap3A] {strides = array<i32>} : memref<256xf32, #tpu.memory_space<vmem>>, vector<16xf32>,
        tpu.vector_store %arg9[%swap3A], %add3A_949 {strides = array<i32>} : memref<256xf32, #tpu.memory_space<vmem>>, vector<16xf32>,
        %swap3A_1302 = arith.index_cast %add3A_985 : i32 to index
        %swap3A_1303 = tpu.vector_load %arg9[%swap3A_1302] {strides = array<i32>} : memref<256xf32, #tpu.memory_space<vmem>>, vector<16xf32>,
        tpu.vector_store %arg9[%swap3A_1302], %add3A_952 {strides = array<i32>} : memref<256xf32, #tpu.memory_space<vmem>>, vector<16xf32>,
      } else {
      }
      %ne3A_991 = arith.constant 0 : i32
      %ne3A_992 = arith.cmpi ne, %sub3A_979, %ne3A_991 : i32
      %convert_element_type3A_993 = arith.extui %ne3A_992 : i1 to i32
      %cond3A_994 = arith.constant 0 : i32
      %cond3A_995 = arith.cmpi ne, %convert_element_type3A_993, %cond3A_994 : i32
      scf.if %cond3A_995 {
        %get3A_1301 = arith.index_cast %mul3A_981 : i32 to index
        %get3A_1302 = tpu.vector_load %arg9[%get3A_1301] {strides = array<i32>} : memref<256xf32, #tpu.memory_space<vmem>>, vector<16xf32>,
        %add3A_1303 = arith.addf %get3A_1302, %add3A_949 : vector<16xf32>
        %swap3A = arith.index_cast %mul3A_981 : i32 to index
        %swap3A_1304 = tpu.vector_load %arg9[%swap3A] {strides = array<i32>} : memref<256xf32, #tpu.memory_space<vmem>>, vector<16xf32>,
        tpu.vector_store %arg9[%swap3A], %add3A_1303 {strides = array<i32>} : memref<256xf32, #tpu.memory_space<vmem>>, vector<16xf32>,
        %get3A_1305 = arith.index_cast %add3A_985 : i32 to index
        %get3A_1306 = tpu.vector_load %arg9[%get3A_1305] {strides = array<i32>} : memref<256xf32, #tpu.memory_space<vmem>>, vector<16xf32>,
        %add3A_1307 = arith.addf %get3A_1306, %add3A_952 : vector<16xf32>
        %swap3A_1308 = arith.index_cast %add3A_985 : i32 to index
        %swap3A_1309 = tpu.vector_load %arg9[%swap3A_1308] {strides = array<i32>} : memref<256xf32, #tpu.memory_space<vmem>>, vector<16xf32>,
        tpu.vector_store %arg9[%swap3A_1308], %add3A_1307 {strides = array<i32>} : memref<256xf32, #tpu.memory_space<vmem>>, vector<16xf32>,
      } else {
      }
      %add3A_996 = arith.constant 8 : i32
      %add3A_997 = arith.addi %add3A_857, %add3A_996 : i32
      %lt3A_998 = arith.constant 200 : i32
      %lt3A_999 = arith.cmpi slt, %add3A_997, %lt3A_998 : i32
      %convert_element_type3A_1000 = arith.extui %lt3A_999 : i1 to i32
      %cond3A_1001 = arith.constant 0 : i32
      %cond3A_1002 = arith.cmpi ne, %convert_element_type3A_1000, %cond3A_1001 : i32
      scf.if %cond3A_1002 {
        %add3A_1301 = arith.constant 8 : i32
        %add3A_1302 = arith.addi %add3A_857, %add3A_1301 : i32
        %dma_start3A_1303 = arith.constant 5 : i32
        %dma_start3A_1304 = arith.constant 0 : i32
        %dma_start3A_1305 = tpu.memref_slice %arg7[%dma_start3A_1303, %dma_start3A_1304] : memref<8x128xi32, #tpu.memory_space<vmem>> -> memref<1x128xi32, #tpu.memory_space<vmem>>
        %dma_start3A_1306 = tpu.memref_squeeze %dma_start3A_1305 : memref<1x128xi32, #tpu.memory_space<vmem>> -> memref<128xi32, #tpu.memory_space<vmem>>
        %dma_start3A_1307 = arith.constant 0 : i32
        %dma_start3A_1308 = tpu.memref_slice %arg6[%add3A_1302, %dma_start3A_1307] : memref<200x128xi32, #tpu.memory_space<vmem>> -> memref<1x128xi32, #tpu.memory_space<vmem>>
        %dma_start3A_1309 = tpu.memref_squeeze %dma_start3A_1308 : memref<1x128xi32, #tpu.memory_space<vmem>> -> memref<128xi32, #tpu.memory_space<vmem>>
        %dma_start3A_1310 = arith.constant 0 : i32
        %dma_start3A_1311 = tpu.memref_slice %arg2[%dma_start3A_1310] : memref<100000xi32, #tpu.memory_space<hbm>> -> memref<100000xi32, #tpu.memory_space<hbm>>
        tpu.enqueue_indirect_dma source(%dma_start3A_1311 : memref<100000xi32, #tpu.memory_space<hbm>>) target(%dma_start3A_1306 : memref<128xi32, #tpu.memory_space<vmem>>) offsets(%dma_start3A_1309 : memref<128xi32, #tpu.memory_space<vmem>>) semaphore(%arg15 : memref<!tpu.dma_semaphore, #tpu.memory_space<semaphore_mem>>)
      } else {
      }
      %mul3A_1003 = arith.constant 8 : i32
      %mul3A_1004 = arith.muli %scan3A_124, %mul3A_1003 : i32
      %add3A_1005 = arith.constant 6 : i32
      %add3A_1006 = arith.addi %mul3A_1004, %add3A_1005 : i32
      %dma_wait3A_1007 = arith.constant 6 : i32
      %dma_wait3A_1008 = arith.constant 0 : i32
      %dma_wait3A_1009 = tpu.memref_slice %arg7[%dma_wait3A_1007, %dma_wait3A_1008] : memref<8x128xi32, #tpu.memory_space<vmem>> -> memref<1x128xi32, #tpu.memory_space<vmem>>
      %dma_wait3A_1010 = tpu.memref_squeeze %dma_wait3A_1009 : memref<1x128xi32, #tpu.memory_space<vmem>> -> memref<128xi32, #tpu.memory_space<vmem>>
      %dma_wait3A_1011 = arith.constant 0 : i32
      %dma_wait3A_1012 = tpu.memref_slice %arg6[%add3A_1006, %dma_wait3A_1011] : memref<200x128xi32, #tpu.memory_space<vmem>> -> memref<1x128xi32, #tpu.memory_space<vmem>>
      %dma_wait3A_1013 = tpu.memref_squeeze %dma_wait3A_1012 : memref<1x128xi32, #tpu.memory_space<vmem>> -> memref<128xi32, #tpu.memory_space<vmem>>
      %dma_wait3A_1014 = arith.constant 0 : i32
      %dma_wait3A_1015 = tpu.memref_slice %arg2[%dma_wait3A_1014] : memref<100000xi32, #tpu.memory_space<hbm>> -> memref<100000xi32, #tpu.memory_space<hbm>>
      tpu.wait_indirect_dma semaphore(%arg16 : memref<!tpu.dma_semaphore, #tpu.memory_space<semaphore_mem>>) src(%dma_wait3A_1015 : memref<100000xi32, #tpu.memory_space<hbm>>) dst(%dma_wait3A_1010 : memref<128xi32, #tpu.memory_space<vmem>>)
      %gather3A_1016 = arith.constant 6 : i32
      %gather3A_1017 = arith.constant 0 : i32
      %gather3A_1018 = tpu.memref_slice %arg7[%gather3A_1016, %gather3A_1017] : memref<8x128xi32, #tpu.memory_space<vmem>> -> memref<1x128xi32, #tpu.memory_space<vmem>>
      %gather3A_1019 = tpu.memref_squeeze %gather3A_1018 : memref<1x128xi32, #tpu.memory_space<vmem>> -> memref<128xi32, #tpu.memory_space<vmem>>
      %gather3A_1020 = tpu.vector_load_idx %gather3A_1019[%get3A_3] : memref<128xi32, #tpu.memory_space<vmem>>[vector<16xi32>], vector<16xi32>,
      %and3A_1021 = arith.andi %gather3A_1020, %get3A_35 : vector<16xi32>
      %bitcast3A_1022 = vector.bitcast %and3A_1021 : vector<16xi32> to vector<16xf32>
      %shift_left3A_1023 = arith.shli %gather3A_1020, %get3A_39 : vector<16xi32>
      %bitcast3A_1024 = vector.bitcast %shift_left3A_1023 : vector<16xi32> to vector<16xf32>
      %gather3A_1025 = arith.constant 6 : i32
      %gather3A_1026 = arith.constant 0 : i32
      %gather3A_1027 = tpu.memref_slice %arg7[%gather3A_1025, %gather3A_1026] : memref<8x128xi32, #tpu.memory_space<vmem>> -> memref<1x128xi32, #tpu.memory_space<vmem>>
      %gather3A_1028 = tpu.memref_squeeze %gather3A_1027 : memref<1x128xi32, #tpu.memory_space<vmem>> -> memref<128xi32, #tpu.memory_space<vmem>>
      %gather3A_1029 = tpu.vector_load_idx %gather3A_1028[%get3A_7] : memref<128xi32, #tpu.memory_space<vmem>>[vector<16xi32>], vector<16xi32>,
      %and3A_1030 = arith.andi %gather3A_1029, %get3A_35 : vector<16xi32>
      %bitcast3A_1031 = vector.bitcast %and3A_1030 : vector<16xi32> to vector<16xf32>
      %add3A_1032 = arith.addf %bitcast3A_1022, %bitcast3A_1031 : vector<16xf32>
      %shift_left3A_1033 = arith.shli %gather3A_1029, %get3A_39 : vector<16xi32>
      %bitcast3A_1034 = vector.bitcast %shift_left3A_1033 : vector<16xi32> to vector<16xf32>
      %add3A_1035 = arith.addf %bitcast3A_1024, %bitcast3A_1034 : vector<16xf32>
      %gather3A_1036 = arith.constant 6 : i32
      %gather3A_1037 = arith.constant 0 : i32
      %gather3A_1038 = tpu.memref_slice %arg7[%gather3A_1036, %gather3A_1037] : memref<8x128xi32, #tpu.memory_space<vmem>> -> memref<1x128xi32, #tpu.memory_space<vmem>>
      %gather3A_1039 = tpu.memref_squeeze %gather3A_1038 : memref<1x128xi32, #tpu.memory_space<vmem>> -> memref<128xi32, #tpu.memory_space<vmem>>
      %gather3A_1040 = tpu.vector_load_idx %gather3A_1039[%get3A_11] : memref<128xi32, #tpu.memory_space<vmem>>[vector<16xi32>], vector<16xi32>,
      %and3A_1041 = arith.andi %gather3A_1040, %get3A_35 : vector<16xi32>
      %bitcast3A_1042 = vector.bitcast %and3A_1041 : vector<16xi32> to vector<16xf32>
      %add3A_1043 = arith.addf %add3A_1032, %bitcast3A_1042 : vector<16xf32>
      %shift_left3A_1044 = arith.shli %gather3A_1040, %get3A_39 : vector<16xi32>
      %bitcast3A_1045 = vector.bitcast %shift_left3A_1044 : vector<16xi32> to vector<16xf32>
      %add3A_1046 = arith.addf %add3A_1035, %bitcast3A_1045 : vector<16xf32>
      %gather3A_1047 = arith.constant 6 : i32
      %gather3A_1048 = arith.constant 0 : i32
      %gather3A_1049 = tpu.memref_slice %arg7[%gather3A_1047, %gather3A_1048] : memref<8x128xi32, #tpu.memory_space<vmem>> -> memref<1x128xi32, #tpu.memory_space<vmem>>
      %gather3A_1050 = tpu.memref_squeeze %gather3A_1049 : memref<1x128xi32, #tpu.memory_space<vmem>> -> memref<128xi32, #tpu.memory_space<vmem>>
      %gather3A_1051 = tpu.vector_load_idx %gather3A_1050[%get3A_15] : memref<128xi32, #tpu.memory_space<vmem>>[vector<16xi32>], vector<16xi32>,
      %and3A_1052 = arith.andi %gather3A_1051, %get3A_35 : vector<16xi32>
      %bitcast3A_1053 = vector.bitcast %and3A_1052 : vector<16xi32> to vector<16xf32>
      %add3A_1054 = arith.addf %add3A_1043, %bitcast3A_1053 : vector<16xf32>
      %shift_left3A_1055 = arith.shli %gather3A_1051, %get3A_39 : vector<16xi32>
      %bitcast3A_1056 = vector.bitcast %shift_left3A_1055 : vector<16xi32> to vector<16xf32>
      %add3A_1057 = arith.addf %add3A_1046, %bitcast3A_1056 : vector<16xf32>
      %gather3A_1058 = arith.constant 6 : i32
      %gather3A_1059 = arith.constant 0 : i32
      %gather3A_1060 = tpu.memref_slice %arg7[%gather3A_1058, %gather3A_1059] : memref<8x128xi32, #tpu.memory_space<vmem>> -> memref<1x128xi32, #tpu.memory_space<vmem>>
      %gather3A_1061 = tpu.memref_squeeze %gather3A_1060 : memref<1x128xi32, #tpu.memory_space<vmem>> -> memref<128xi32, #tpu.memory_space<vmem>>
      %gather3A_1062 = tpu.vector_load_idx %gather3A_1061[%get3A_19] : memref<128xi32, #tpu.memory_space<vmem>>[vector<16xi32>], vector<16xi32>,
      %and3A_1063 = arith.andi %gather3A_1062, %get3A_35 : vector<16xi32>
      %bitcast3A_1064 = vector.bitcast %and3A_1063 : vector<16xi32> to vector<16xf32>
      %add3A_1065 = arith.addf %add3A_1054, %bitcast3A_1064 : vector<16xf32>
      %shift_left3A_1066 = arith.shli %gather3A_1062, %get3A_39 : vector<16xi32>
      %bitcast3A_1067 = vector.bitcast %shift_left3A_1066 : vector<16xi32> to vector<16xf32>
      %add3A_1068 = arith.addf %add3A_1057, %bitcast3A_1067 : vector<16xf32>
      %gather3A_1069 = arith.constant 6 : i32
      %gather3A_1070 = arith.constant 0 : i32
      %gather3A_1071 = tpu.memref_slice %arg7[%gather3A_1069, %gather3A_1070] : memref<8x128xi32, #tpu.memory_space<vmem>> -> memref<1x128xi32, #tpu.memory_space<vmem>>
      %gather3A_1072 = tpu.memref_squeeze %gather3A_1071 : memref<1x128xi32, #tpu.memory_space<vmem>> -> memref<128xi32, #tpu.memory_space<vmem>>
      %gather3A_1073 = tpu.vector_load_idx %gather3A_1072[%get3A_23] : memref<128xi32, #tpu.memory_space<vmem>>[vector<16xi32>], vector<16xi32>,
      %and3A_1074 = arith.andi %gather3A_1073, %get3A_35 : vector<16xi32>
      %bitcast3A_1075 = vector.bitcast %and3A_1074 : vector<16xi32> to vector<16xf32>
      %add3A_1076 = arith.addf %add3A_1065, %bitcast3A_1075 : vector<16xf32>
      %shift_left3A_1077 = arith.shli %gather3A_1073, %get3A_39 : vector<16xi32>
      %bitcast3A_1078 = vector.bitcast %shift_left3A_1077 : vector<16xi32> to vector<16xf32>
      %add3A_1079 = arith.addf %add3A_1068, %bitcast3A_1078 : vector<16xf32>
      %gather3A_1080 = arith.constant 6 : i32
      %gather3A_1081 = arith.constant 0 : i32
      %gather3A_1082 = tpu.memref_slice %arg7[%gather3A_1080, %gather3A_1081] : memref<8x128xi32, #tpu.memory_space<vmem>> -> memref<1x128xi32, #tpu.memory_space<vmem>>
      %gather3A_1083 = tpu.memref_squeeze %gather3A_1082 : memref<1x128xi32, #tpu.memory_space<vmem>> -> memref<128xi32, #tpu.memory_space<vmem>>
      %gather3A_1084 = tpu.vector_load_idx %gather3A_1083[%get3A_27] : memref<128xi32, #tpu.memory_space<vmem>>[vector<16xi32>], vector<16xi32>,
      %and3A_1085 = arith.andi %gather3A_1084, %get3A_35 : vector<16xi32>
      %bitcast3A_1086 = vector.bitcast %and3A_1085 : vector<16xi32> to vector<16xf32>
      %add3A_1087 = arith.addf %add3A_1076, %bitcast3A_1086 : vector<16xf32>
      %shift_left3A_1088 = arith.shli %gather3A_1084, %get3A_39 : vector<16xi32>
      %bitcast3A_1089 = vector.bitcast %shift_left3A_1088 : vector<16xi32> to vector<16xf32>
      %add3A_1090 = arith.addf %add3A_1079, %bitcast3A_1089 : vector<16xf32>
      %gather3A_1091 = arith.constant 6 : i32
      %gather3A_1092 = arith.constant 0 : i32
      %gather3A_1093 = tpu.memref_slice %arg7[%gather3A_1091, %gather3A_1092] : memref<8x128xi32, #tpu.memory_space<vmem>> -> memref<1x128xi32, #tpu.memory_space<vmem>>
      %gather3A_1094 = tpu.memref_squeeze %gather3A_1093 : memref<1x128xi32, #tpu.memory_space<vmem>> -> memref<128xi32, #tpu.memory_space<vmem>>
      %gather3A_1095 = tpu.vector_load_idx %gather3A_1094[%get3A_31] : memref<128xi32, #tpu.memory_space<vmem>>[vector<16xi32>], vector<16xi32>,
      %and3A_1096 = arith.andi %gather3A_1095, %get3A_35 : vector<16xi32>
      %bitcast3A_1097 = vector.bitcast %and3A_1096 : vector<16xi32> to vector<16xf32>
      %add3A_1098 = arith.addf %add3A_1087, %bitcast3A_1097 : vector<16xf32>
      %shift_left3A_1099 = arith.shli %gather3A_1095, %get3A_39 : vector<16xi32>
      %bitcast3A_1100 = vector.bitcast %shift_left3A_1099 : vector<16xi32> to vector<16xf32>
      %add3A_1101 = arith.addf %add3A_1090, %bitcast3A_1100 : vector<16xf32>
      %jit3A_1102 = arith.constant 25 : i32
      %div3A_1103 = arith.divsi %add3A_1006, %jit3A_1102 : i32
      %sign3A_1104 = arith.constant 0 : i32
      %sign3A_1105 = arith.cmpi sgt, %add3A_1006, %sign3A_1104 : i32
      %sign3A_1106 = arith.extui %sign3A_1105 : i1 to i32
      %sign3A_1107 = arith.constant 0 : i32
      %sign3A_1108 = arith.cmpi slt, %add3A_1006, %sign3A_1107 : i32
      %sign3A_1109 = arith.extui %sign3A_1108 : i1 to i32
      %sign3A_1110 = arith.subi %sign3A_1106, %sign3A_1109 : i32
      %sign3A_1111 = arith.constant 0 : i32
      %sign3A_1112 = arith.cmpi sgt, %jit3A_1102, %sign3A_1111 : i32
      %sign3A_1113 = arith.extui %sign3A_1112 : i1 to i32
      %sign3A_1114 = arith.constant 0 : i32
      %sign3A_1115 = arith.cmpi slt, %jit3A_1102, %sign3A_1114 : i32
      %sign3A_1116 = arith.extui %sign3A_1115 : i1 to i32
      %sign3A_1117 = arith.subi %sign3A_1113, %sign3A_1116 : i32
      %ne3A_1118 = arith.cmpi ne, %sign3A_1110, %sign3A_1117 : i32
      %rem3A_1119 = arith.remsi %add3A_1006, %jit3A_1102 : i32
      %ne3A_1120 = arith.constant 0 : i32
      %ne3A_1121 = arith.cmpi ne, %rem3A_1119, %ne3A_1120 : i32
      %and3A_1122 = arith.andi %ne3A_1118, %ne3A_1121 : i1
      %sub3A_1123 = arith.constant 1 : i32
      %sub3A_1124 = arith.subi %div3A_1103, %sub3A_1123 : i32
      %select_n3A_1125 = arith.select %and3A_1122, %sub3A_1124, %div3A_1103 : i32
      %mul3A_1126 = arith.constant 25 : i32
      %mul3A_1127 = arith.muli %select_n3A_1125, %mul3A_1126 : i32
      %sub3A_1128 = arith.subi %add3A_1006, %mul3A_1127 : i32
      %mul3A_1129 = arith.constant 16 : i32
      %mul3A_1130 = arith.muli %select_n3A_1125, %mul3A_1129 : i32
      %mul3A_1131 = arith.constant 16 : i32
      %mul3A_1132 = arith.muli %select_n3A_1125, %mul3A_1131 : i32
      %add3A_1133 = arith.constant 128 : i32
      %add3A_1134 = arith.addi %add3A_1133, %mul3A_1132 : i32
      %eq3A_1135 = arith.constant 0 : i32
      %eq3A_1136 = arith.cmpi eq, %sub3A_1128, %eq3A_1135 : i32
      %convert_element_type3A_1137 = arith.extui %eq3A_1136 : i1 to i32
      %cond3A_1138 = arith.constant 0 : i32
      %cond3A_1139 = arith.cmpi ne, %convert_element_type3A_1137, %cond3A_1138 : i32
      scf.if %cond3A_1139 {
        %swap3A = arith.index_cast %mul3A_1130 : i32 to index
        %swap3A_1301 = tpu.vector_load %arg9[%swap3A] {strides = array<i32>} : memref<256xf32, #tpu.memory_space<vmem>>, vector<16xf32>,
        tpu.vector_store %arg9[%swap3A], %add3A_1098 {strides = array<i32>} : memref<256xf32, #tpu.memory_space<vmem>>, vector<16xf32>,
        %swap3A_1302 = arith.index_cast %add3A_1134 : i32 to index
        %swap3A_1303 = tpu.vector_load %arg9[%swap3A_1302] {strides = array<i32>} : memref<256xf32, #tpu.memory_space<vmem>>, vector<16xf32>,
        tpu.vector_store %arg9[%swap3A_1302], %add3A_1101 {strides = array<i32>} : memref<256xf32, #tpu.memory_space<vmem>>, vector<16xf32>,
      } else {
      }
      %ne3A_1140 = arith.constant 0 : i32
      %ne3A_1141 = arith.cmpi ne, %sub3A_1128, %ne3A_1140 : i32
      %convert_element_type3A_1142 = arith.extui %ne3A_1141 : i1 to i32
      %cond3A_1143 = arith.constant 0 : i32
      %cond3A_1144 = arith.cmpi ne, %convert_element_type3A_1142, %cond3A_1143 : i32
      scf.if %cond3A_1144 {
        %get3A_1301 = arith.index_cast %mul3A_1130 : i32 to index
        %get3A_1302 = tpu.vector_load %arg9[%get3A_1301] {strides = array<i32>} : memref<256xf32, #tpu.memory_space<vmem>>, vector<16xf32>,
        %add3A_1303 = arith.addf %get3A_1302, %add3A_1098 : vector<16xf32>
        %swap3A = arith.index_cast %mul3A_1130 : i32 to index
        %swap3A_1304 = tpu.vector_load %arg9[%swap3A] {strides = array<i32>} : memref<256xf32, #tpu.memory_space<vmem>>, vector<16xf32>,
        tpu.vector_store %arg9[%swap3A], %add3A_1303 {strides = array<i32>} : memref<256xf32, #tpu.memory_space<vmem>>, vector<16xf32>,
        %get3A_1305 = arith.index_cast %add3A_1134 : i32 to index
        %get3A_1306 = tpu.vector_load %arg9[%get3A_1305] {strides = array<i32>} : memref<256xf32, #tpu.memory_space<vmem>>, vector<16xf32>,
        %add3A_1307 = arith.addf %get3A_1306, %add3A_1101 : vector<16xf32>
        %swap3A_1308 = arith.index_cast %add3A_1134 : i32 to index
        %swap3A_1309 = tpu.vector_load %arg9[%swap3A_1308] {strides = array<i32>} : memref<256xf32, #tpu.memory_space<vmem>>, vector<16xf32>,
        tpu.vector_store %arg9[%swap3A_1308], %add3A_1307 {strides = array<i32>} : memref<256xf32, #tpu.memory_space<vmem>>, vector<16xf32>,
      } else {
      }
      %add3A_1145 = arith.constant 8 : i32
      %add3A_1146 = arith.addi %add3A_1006, %add3A_1145 : i32
      %lt3A_1147 = arith.constant 200 : i32
      %lt3A_1148 = arith.cmpi slt, %add3A_1146, %lt3A_1147 : i32
      %convert_element_type3A_1149 = arith.extui %lt3A_1148 : i1 to i32
      %cond3A_1150 = arith.constant 0 : i32
      %cond3A_1151 = arith.cmpi ne, %convert_element_type3A_1149, %cond3A_1150 : i32
      scf.if %cond3A_1151 {
        %add3A_1301 = arith.constant 8 : i32
        %add3A_1302 = arith.addi %add3A_1006, %add3A_1301 : i32
        %dma_start3A_1303 = arith.constant 6 : i32
        %dma_start3A_1304 = arith.constant 0 : i32
        %dma_start3A_1305 = tpu.memref_slice %arg7[%dma_start3A_1303, %dma_start3A_1304] : memref<8x128xi32, #tpu.memory_space<vmem>> -> memref<1x128xi32, #tpu.memory_space<vmem>>
        %dma_start3A_1306 = tpu.memref_squeeze %dma_start3A_1305 : memref<1x128xi32, #tpu.memory_space<vmem>> -> memref<128xi32, #tpu.memory_space<vmem>>
        %dma_start3A_1307 = arith.constant 0 : i32
        %dma_start3A_1308 = tpu.memref_slice %arg6[%add3A_1302, %dma_start3A_1307] : memref<200x128xi32, #tpu.memory_space<vmem>> -> memref<1x128xi32, #tpu.memory_space<vmem>>
        %dma_start3A_1309 = tpu.memref_squeeze %dma_start3A_1308 : memref<1x128xi32, #tpu.memory_space<vmem>> -> memref<128xi32, #tpu.memory_space<vmem>>
        %dma_start3A_1310 = arith.constant 0 : i32
        %dma_start3A_1311 = tpu.memref_slice %arg2[%dma_start3A_1310] : memref<100000xi32, #tpu.memory_space<hbm>> -> memref<100000xi32, #tpu.memory_space<hbm>>
        tpu.enqueue_indirect_dma source(%dma_start3A_1311 : memref<100000xi32, #tpu.memory_space<hbm>>) target(%dma_start3A_1306 : memref<128xi32, #tpu.memory_space<vmem>>) offsets(%dma_start3A_1309 : memref<128xi32, #tpu.memory_space<vmem>>) semaphore(%arg16 : memref<!tpu.dma_semaphore, #tpu.memory_space<semaphore_mem>>)
      } else {
      }
      %mul3A_1152 = arith.constant 8 : i32
      %mul3A_1153 = arith.muli %scan3A_124, %mul3A_1152 : i32
      %add3A_1154 = arith.constant 7 : i32
      %add3A_1155 = arith.addi %mul3A_1153, %add3A_1154 : i32
      %dma_wait3A_1156 = arith.constant 7 : i32
      %dma_wait3A_1157 = arith.constant 0 : i32
      %dma_wait3A_1158 = tpu.memref_slice %arg7[%dma_wait3A_1156, %dma_wait3A_1157] : memref<8x128xi32, #tpu.memory_space<vmem>> -> memref<1x128xi32, #tpu.memory_space<vmem>>
      %dma_wait3A_1159 = tpu.memref_squeeze %dma_wait3A_1158 : memref<1x128xi32, #tpu.memory_space<vmem>> -> memref<128xi32, #tpu.memory_space<vmem>>
      %dma_wait3A_1160 = arith.constant 0 : i32
      %dma_wait3A_1161 = tpu.memref_slice %arg6[%add3A_1155, %dma_wait3A_1160] : memref<200x128xi32, #tpu.memory_space<vmem>> -> memref<1x128xi32, #tpu.memory_space<vmem>>
      %dma_wait3A_1162 = tpu.memref_squeeze %dma_wait3A_1161 : memref<1x128xi32, #tpu.memory_space<vmem>> -> memref<128xi32, #tpu.memory_space<vmem>>
      %dma_wait3A_1163 = arith.constant 0 : i32
      %dma_wait3A_1164 = tpu.memref_slice %arg2[%dma_wait3A_1163] : memref<100000xi32, #tpu.memory_space<hbm>> -> memref<100000xi32, #tpu.memory_space<hbm>>
      tpu.wait_indirect_dma semaphore(%arg17 : memref<!tpu.dma_semaphore, #tpu.memory_space<semaphore_mem>>) src(%dma_wait3A_1164 : memref<100000xi32, #tpu.memory_space<hbm>>) dst(%dma_wait3A_1159 : memref<128xi32, #tpu.memory_space<vmem>>)
      %gather3A_1165 = arith.constant 7 : i32
      %gather3A_1166 = arith.constant 0 : i32
      %gather3A_1167 = tpu.memref_slice %arg7[%gather3A_1165, %gather3A_1166] : memref<8x128xi32, #tpu.memory_space<vmem>> -> memref<1x128xi32, #tpu.memory_space<vmem>>
      %gather3A_1168 = tpu.memref_squeeze %gather3A_1167 : memref<1x128xi32, #tpu.memory_space<vmem>> -> memref<128xi32, #tpu.memory_space<vmem>>
      %gather3A_1169 = tpu.vector_load_idx %gather3A_1168[%get3A_3] : memref<128xi32, #tpu.memory_space<vmem>>[vector<16xi32>], vector<16xi32>,
      %and3A_1170 = arith.andi %gather3A_1169, %get3A_35 : vector<16xi32>
      %bitcast3A_1171 = vector.bitcast %and3A_1170 : vector<16xi32> to vector<16xf32>
      %shift_left3A_1172 = arith.shli %gather3A_1169, %get3A_39 : vector<16xi32>
      %bitcast3A_1173 = vector.bitcast %shift_left3A_1172 : vector<16xi32> to vector<16xf32>
      %gather3A_1174 = arith.constant 7 : i32
      %gather3A_1175 = arith.constant 0 : i32
      %gather3A_1176 = tpu.memref_slice %arg7[%gather3A_1174, %gather3A_1175] : memref<8x128xi32, #tpu.memory_space<vmem>> -> memref<1x128xi32, #tpu.memory_space<vmem>>
      %gather3A_1177 = tpu.memref_squeeze %gather3A_1176 : memref<1x128xi32, #tpu.memory_space<vmem>> -> memref<128xi32, #tpu.memory_space<vmem>>
      %gather3A_1178 = tpu.vector_load_idx %gather3A_1177[%get3A_7] : memref<128xi32, #tpu.memory_space<vmem>>[vector<16xi32>], vector<16xi32>,
      %and3A_1179 = arith.andi %gather3A_1178, %get3A_35 : vector<16xi32>
      %bitcast3A_1180 = vector.bitcast %and3A_1179 : vector<16xi32> to vector<16xf32>
      %add3A_1181 = arith.addf %bitcast3A_1171, %bitcast3A_1180 : vector<16xf32>
      %shift_left3A_1182 = arith.shli %gather3A_1178, %get3A_39 : vector<16xi32>
      %bitcast3A_1183 = vector.bitcast %shift_left3A_1182 : vector<16xi32> to vector<16xf32>
      %add3A_1184 = arith.addf %bitcast3A_1173, %bitcast3A_1183 : vector<16xf32>
      %gather3A_1185 = arith.constant 7 : i32
      %gather3A_1186 = arith.constant 0 : i32
      %gather3A_1187 = tpu.memref_slice %arg7[%gather3A_1185, %gather3A_1186] : memref<8x128xi32, #tpu.memory_space<vmem>> -> memref<1x128xi32, #tpu.memory_space<vmem>>
      %gather3A_1188 = tpu.memref_squeeze %gather3A_1187 : memref<1x128xi32, #tpu.memory_space<vmem>> -> memref<128xi32, #tpu.memory_space<vmem>>
      %gather3A_1189 = tpu.vector_load_idx %gather3A_1188[%get3A_11] : memref<128xi32, #tpu.memory_space<vmem>>[vector<16xi32>], vector<16xi32>,
      %and3A_1190 = arith.andi %gather3A_1189, %get3A_35 : vector<16xi32>
      %bitcast3A_1191 = vector.bitcast %and3A_1190 : vector<16xi32> to vector<16xf32>
      %add3A_1192 = arith.addf %add3A_1181, %bitcast3A_1191 : vector<16xf32>
      %shift_left3A_1193 = arith.shli %gather3A_1189, %get3A_39 : vector<16xi32>
      %bitcast3A_1194 = vector.bitcast %shift_left3A_1193 : vector<16xi32> to vector<16xf32>
      %add3A_1195 = arith.addf %add3A_1184, %bitcast3A_1194 : vector<16xf32>
      %gather3A_1196 = arith.constant 7 : i32
      %gather3A_1197 = arith.constant 0 : i32
      %gather3A_1198 = tpu.memref_slice %arg7[%gather3A_1196, %gather3A_1197] : memref<8x128xi32, #tpu.memory_space<vmem>> -> memref<1x128xi32, #tpu.memory_space<vmem>>
      %gather3A_1199 = tpu.memref_squeeze %gather3A_1198 : memref<1x128xi32, #tpu.memory_space<vmem>> -> memref<128xi32, #tpu.memory_space<vmem>>
      %gather3A_1200 = tpu.vector_load_idx %gather3A_1199[%get3A_15] : memref<128xi32, #tpu.memory_space<vmem>>[vector<16xi32>], vector<16xi32>,
      %and3A_1201 = arith.andi %gather3A_1200, %get3A_35 : vector<16xi32>
      %bitcast3A_1202 = vector.bitcast %and3A_1201 : vector<16xi32> to vector<16xf32>
      %add3A_1203 = arith.addf %add3A_1192, %bitcast3A_1202 : vector<16xf32>
      %shift_left3A_1204 = arith.shli %gather3A_1200, %get3A_39 : vector<16xi32>
      %bitcast3A_1205 = vector.bitcast %shift_left3A_1204 : vector<16xi32> to vector<16xf32>
      %add3A_1206 = arith.addf %add3A_1195, %bitcast3A_1205 : vector<16xf32>
      %gather3A_1207 = arith.constant 7 : i32
      %gather3A_1208 = arith.constant 0 : i32
      %gather3A_1209 = tpu.memref_slice %arg7[%gather3A_1207, %gather3A_1208] : memref<8x128xi32, #tpu.memory_space<vmem>> -> memref<1x128xi32, #tpu.memory_space<vmem>>
      %gather3A_1210 = tpu.memref_squeeze %gather3A_1209 : memref<1x128xi32, #tpu.memory_space<vmem>> -> memref<128xi32, #tpu.memory_space<vmem>>
      %gather3A_1211 = tpu.vector_load_idx %gather3A_1210[%get3A_19] : memref<128xi32, #tpu.memory_space<vmem>>[vector<16xi32>], vector<16xi32>,
      %and3A_1212 = arith.andi %gather3A_1211, %get3A_35 : vector<16xi32>
      %bitcast3A_1213 = vector.bitcast %and3A_1212 : vector<16xi32> to vector<16xf32>
      %add3A_1214 = arith.addf %add3A_1203, %bitcast3A_1213 : vector<16xf32>
      %shift_left3A_1215 = arith.shli %gather3A_1211, %get3A_39 : vector<16xi32>
      %bitcast3A_1216 = vector.bitcast %shift_left3A_1215 : vector<16xi32> to vector<16xf32>
      %add3A_1217 = arith.addf %add3A_1206, %bitcast3A_1216 : vector<16xf32>
      %gather3A_1218 = arith.constant 7 : i32
      %gather3A_1219 = arith.constant 0 : i32
      %gather3A_1220 = tpu.memref_slice %arg7[%gather3A_1218, %gather3A_1219] : memref<8x128xi32, #tpu.memory_space<vmem>> -> memref<1x128xi32, #tpu.memory_space<vmem>>
      %gather3A_1221 = tpu.memref_squeeze %gather3A_1220 : memref<1x128xi32, #tpu.memory_space<vmem>> -> memref<128xi32, #tpu.memory_space<vmem>>
      %gather3A_1222 = tpu.vector_load_idx %gather3A_1221[%get3A_23] : memref<128xi32, #tpu.memory_space<vmem>>[vector<16xi32>], vector<16xi32>,
      %and3A_1223 = arith.andi %gather3A_1222, %get3A_35 : vector<16xi32>
      %bitcast3A_1224 = vector.bitcast %and3A_1223 : vector<16xi32> to vector<16xf32>
      %add3A_1225 = arith.addf %add3A_1214, %bitcast3A_1224 : vector<16xf32>
      %shift_left3A_1226 = arith.shli %gather3A_1222, %get3A_39 : vector<16xi32>
      %bitcast3A_1227 = vector.bitcast %shift_left3A_1226 : vector<16xi32> to vector<16xf32>
      %add3A_1228 = arith.addf %add3A_1217, %bitcast3A_1227 : vector<16xf32>
      %gather3A_1229 = arith.constant 7 : i32
      %gather3A_1230 = arith.constant 0 : i32
      %gather3A_1231 = tpu.memref_slice %arg7[%gather3A_1229, %gather3A_1230] : memref<8x128xi32, #tpu.memory_space<vmem>> -> memref<1x128xi32, #tpu.memory_space<vmem>>
      %gather3A_1232 = tpu.memref_squeeze %gather3A_1231 : memref<1x128xi32, #tpu.memory_space<vmem>> -> memref<128xi32, #tpu.memory_space<vmem>>
      %gather3A_1233 = tpu.vector_load_idx %gather3A_1232[%get3A_27] : memref<128xi32, #tpu.memory_space<vmem>>[vector<16xi32>], vector<16xi32>,
      %and3A_1234 = arith.andi %gather3A_1233, %get3A_35 : vector<16xi32>
      %bitcast3A_1235 = vector.bitcast %and3A_1234 : vector<16xi32> to vector<16xf32>
      %add3A_1236 = arith.addf %add3A_1225, %bitcast3A_1235 : vector<16xf32>
      %shift_left3A_1237 = arith.shli %gather3A_1233, %get3A_39 : vector<16xi32>
      %bitcast3A_1238 = vector.bitcast %shift_left3A_1237 : vector<16xi32> to vector<16xf32>
      %add3A_1239 = arith.addf %add3A_1228, %bitcast3A_1238 : vector<16xf32>
      %gather3A_1240 = arith.constant 7 : i32
      %gather3A_1241 = arith.constant 0 : i32
      %gather3A_1242 = tpu.memref_slice %arg7[%gather3A_1240, %gather3A_1241] : memref<8x128xi32, #tpu.memory_space<vmem>> -> memref<1x128xi32, #tpu.memory_space<vmem>>
      %gather3A_1243 = tpu.memref_squeeze %gather3A_1242 : memref<1x128xi32, #tpu.memory_space<vmem>> -> memref<128xi32, #tpu.memory_space<vmem>>
      %gather3A_1244 = tpu.vector_load_idx %gather3A_1243[%get3A_31] : memref<128xi32, #tpu.memory_space<vmem>>[vector<16xi32>], vector<16xi32>,
      %and3A_1245 = arith.andi %gather3A_1244, %get3A_35 : vector<16xi32>
      %bitcast3A_1246 = vector.bitcast %and3A_1245 : vector<16xi32> to vector<16xf32>
      %add3A_1247 = arith.addf %add3A_1236, %bitcast3A_1246 : vector<16xf32>
      %shift_left3A_1248 = arith.shli %gather3A_1244, %get3A_39 : vector<16xi32>
      %bitcast3A_1249 = vector.bitcast %shift_left3A_1248 : vector<16xi32> to vector<16xf32>
      %add3A_1250 = arith.addf %add3A_1239, %bitcast3A_1249 : vector<16xf32>
      %jit3A_1251 = arith.constant 25 : i32
      %div3A_1252 = arith.divsi %add3A_1155, %jit3A_1251 : i32
      %sign3A_1253 = arith.constant 0 : i32
      %sign3A_1254 = arith.cmpi sgt, %add3A_1155, %sign3A_1253 : i32
      %sign3A_1255 = arith.extui %sign3A_1254 : i1 to i32
      %sign3A_1256 = arith.constant 0 : i32
      %sign3A_1257 = arith.cmpi slt, %add3A_1155, %sign3A_1256 : i32
      %sign3A_1258 = arith.extui %sign3A_1257 : i1 to i32
      %sign3A_1259 = arith.subi %sign3A_1255, %sign3A_1258 : i32
      %sign3A_1260 = arith.constant 0 : i32
      %sign3A_1261 = arith.cmpi sgt, %jit3A_1251, %sign3A_1260 : i32
      %sign3A_1262 = arith.extui %sign3A_1261 : i1 to i32
      %sign3A_1263 = arith.constant 0 : i32
      %sign3A_1264 = arith.cmpi slt, %jit3A_1251, %sign3A_1263 : i32
      %sign3A_1265 = arith.extui %sign3A_1264 : i1 to i32
      %sign3A_1266 = arith.subi %sign3A_1262, %sign3A_1265 : i32
      %ne3A_1267 = arith.cmpi ne, %sign3A_1259, %sign3A_1266 : i32
      %rem3A_1268 = arith.remsi %add3A_1155, %jit3A_1251 : i32
      %ne3A_1269 = arith.constant 0 : i32
      %ne3A_1270 = arith.cmpi ne, %rem3A_1268, %ne3A_1269 : i32
      %and3A_1271 = arith.andi %ne3A_1267, %ne3A_1270 : i1
      %sub3A_1272 = arith.constant 1 : i32
      %sub3A_1273 = arith.subi %div3A_1252, %sub3A_1272 : i32
      %select_n3A_1274 = arith.select %and3A_1271, %sub3A_1273, %div3A_1252 : i32
      %mul3A_1275 = arith.constant 25 : i32
      %mul3A_1276 = arith.muli %select_n3A_1274, %mul3A_1275 : i32
      %sub3A_1277 = arith.subi %add3A_1155, %mul3A_1276 : i32
      %mul3A_1278 = arith.constant 16 : i32
      %mul3A_1279 = arith.muli %select_n3A_1274, %mul3A_1278 : i32
      %mul3A_1280 = arith.constant 16 : i32
      %mul3A_1281 = arith.muli %select_n3A_1274, %mul3A_1280 : i32
      %add3A_1282 = arith.constant 128 : i32
      %add3A_1283 = arith.addi %add3A_1282, %mul3A_1281 : i32
      %eq3A_1284 = arith.constant 0 : i32
      %eq3A_1285 = arith.cmpi eq, %sub3A_1277, %eq3A_1284 : i32
      %convert_element_type3A_1286 = arith.extui %eq3A_1285 : i1 to i32
      %cond3A_1287 = arith.constant 0 : i32
      %cond3A_1288 = arith.cmpi ne, %convert_element_type3A_1286, %cond3A_1287 : i32
      scf.if %cond3A_1288 {
        %swap3A = arith.index_cast %mul3A_1279 : i32 to index
        %swap3A_1301 = tpu.vector_load %arg9[%swap3A] {strides = array<i32>} : memref<256xf32, #tpu.memory_space<vmem>>, vector<16xf32>,
        tpu.vector_store %arg9[%swap3A], %add3A_1247 {strides = array<i32>} : memref<256xf32, #tpu.memory_space<vmem>>, vector<16xf32>,
        %swap3A_1302 = arith.index_cast %add3A_1283 : i32 to index
        %swap3A_1303 = tpu.vector_load %arg9[%swap3A_1302] {strides = array<i32>} : memref<256xf32, #tpu.memory_space<vmem>>, vector<16xf32>,
        tpu.vector_store %arg9[%swap3A_1302], %add3A_1250 {strides = array<i32>} : memref<256xf32, #tpu.memory_space<vmem>>, vector<16xf32>,
      } else {
      }
      %ne3A_1289 = arith.constant 0 : i32
      %ne3A_1290 = arith.cmpi ne, %sub3A_1277, %ne3A_1289 : i32
      %convert_element_type3A_1291 = arith.extui %ne3A_1290 : i1 to i32
      %cond3A_1292 = arith.constant 0 : i32
      %cond3A_1293 = arith.cmpi ne, %convert_element_type3A_1291, %cond3A_1292 : i32
      scf.if %cond3A_1293 {
        %get3A_1301 = arith.index_cast %mul3A_1279 : i32 to index
        %get3A_1302 = tpu.vector_load %arg9[%get3A_1301] {strides = array<i32>} : memref<256xf32, #tpu.memory_space<vmem>>, vector<16xf32>,
        %add3A_1303 = arith.addf %get3A_1302, %add3A_1247 : vector<16xf32>
        %swap3A = arith.index_cast %mul3A_1279 : i32 to index
        %swap3A_1304 = tpu.vector_load %arg9[%swap3A] {strides = array<i32>} : memref<256xf32, #tpu.memory_space<vmem>>, vector<16xf32>,
        tpu.vector_store %arg9[%swap3A], %add3A_1303 {strides = array<i32>} : memref<256xf32, #tpu.memory_space<vmem>>, vector<16xf32>,
        %get3A_1305 = arith.index_cast %add3A_1283 : i32 to index
        %get3A_1306 = tpu.vector_load %arg9[%get3A_1305] {strides = array<i32>} : memref<256xf32, #tpu.memory_space<vmem>>, vector<16xf32>,
        %add3A_1307 = arith.addf %get3A_1306, %add3A_1250 : vector<16xf32>
        %swap3A_1308 = arith.index_cast %add3A_1283 : i32 to index
        %swap3A_1309 = tpu.vector_load %arg9[%swap3A_1308] {strides = array<i32>} : memref<256xf32, #tpu.memory_space<vmem>>, vector<16xf32>,
        tpu.vector_store %arg9[%swap3A_1308], %add3A_1307 {strides = array<i32>} : memref<256xf32, #tpu.memory_space<vmem>>, vector<16xf32>,
      } else {
      }
      %add3A_1294 = arith.constant 8 : i32
      %add3A_1295 = arith.addi %add3A_1155, %add3A_1294 : i32
      %lt3A_1296 = arith.constant 200 : i32
      %lt3A_1297 = arith.cmpi slt, %add3A_1295, %lt3A_1296 : i32
      %convert_element_type3A_1298 = arith.extui %lt3A_1297 : i1 to i32
      %cond3A_1299 = arith.constant 0 : i32
      %cond3A_1300 = arith.cmpi ne, %convert_element_type3A_1298, %cond3A_1299 : i32
      scf.if %cond3A_1300 {
        %add3A_1301 = arith.constant 8 : i32
        %add3A_1302 = arith.addi %add3A_1155, %add3A_1301 : i32
        %dma_start3A_1303 = arith.constant 7 : i32
        %dma_start3A_1304 = arith.constant 0 : i32
        %dma_start3A_1305 = tpu.memref_slice %arg7[%dma_start3A_1303, %dma_start3A_1304] : memref<8x128xi32, #tpu.memory_space<vmem>> -> memref<1x128xi32, #tpu.memory_space<vmem>>
        %dma_start3A_1306 = tpu.memref_squeeze %dma_start3A_1305 : memref<1x128xi32, #tpu.memory_space<vmem>> -> memref<128xi32, #tpu.memory_space<vmem>>
        %dma_start3A_1307 = arith.constant 0 : i32
        %dma_start3A_1308 = tpu.memref_slice %arg6[%add3A_1302, %dma_start3A_1307] : memref<200x128xi32, #tpu.memory_space<vmem>> -> memref<1x128xi32, #tpu.memory_space<vmem>>
        %dma_start3A_1309 = tpu.memref_squeeze %dma_start3A_1308 : memref<1x128xi32, #tpu.memory_space<vmem>> -> memref<128xi32, #tpu.memory_space<vmem>>
        %dma_start3A_1310 = arith.constant 0 : i32
        %dma_start3A_1311 = tpu.memref_slice %arg2[%dma_start3A_1310] : memref<100000xi32, #tpu.memory_space<hbm>> -> memref<100000xi32, #tpu.memory_space<hbm>>
        tpu.enqueue_indirect_dma source(%dma_start3A_1311 : memref<100000xi32, #tpu.memory_space<hbm>>) target(%dma_start3A_1306 : memref<128xi32, #tpu.memory_space<vmem>>) offsets(%dma_start3A_1309 : memref<128xi32, #tpu.memory_space<vmem>>) semaphore(%arg17 : memref<!tpu.dma_semaphore, #tpu.memory_space<semaphore_mem>>)
      } else {
      }
    }
    %scan3A_123 = arith.constant 25 : i32
    "tpu.region"() ({
      %run_scoped3A = tpu.sem_alloc : memref<!tpu.dma_semaphore, #tpu.memory_space<semaphore_mem>>
      %dma_start3A_124 = arith.constant 0 : i32
      %dma_start3A_125 = tpu.memref_slice %arg5[%add3A, %dma_start3A_124] : memref<32x256xf32, #tpu.memory_space<hbm>> -> memref<1x256xf32, #tpu.memory_space<hbm>>
      %dma_start3A_126 = tpu.memref_squeeze %dma_start3A_125 : memref<1x256xf32, #tpu.memory_space<hbm>> -> memref<256xf32, #tpu.memory_space<hbm>>
      %dma_start3A_127 = arith.constant 0 : i32
      %dma_start3A_128 = tpu.memref_slice %arg5[%add3A, %dma_start3A_127] : memref<32x256xf32, #tpu.memory_space<hbm>> -> memref<1x256xf32, #tpu.memory_space<hbm>>
      %dma_start3A_129 = tpu.memref_squeeze %dma_start3A_128 : memref<1x256xf32, #tpu.memory_space<hbm>> -> memref<256xf32, #tpu.memory_space<hbm>>
      tpu.enqueue_dma source(%arg9 : memref<256xf32, #tpu.memory_space<vmem>>) target(%dma_start3A_129 : memref<256xf32, #tpu.memory_space<hbm>>) target_semaphore(%run_scoped3A : memref<!tpu.dma_semaphore, #tpu.memory_space<semaphore_mem>>)
      %dma_wait3A = arith.constant 0 : i32
      %dma_wait3A_130 = tpu.memref_slice %arg5[%add3A, %dma_wait3A] : memref<32x256xf32, #tpu.memory_space<hbm>> -> memref<1x256xf32, #tpu.memory_space<hbm>>
      %dma_wait3A_131 = tpu.memref_squeeze %dma_wait3A_130 : memref<1x256xf32, #tpu.memory_space<hbm>> -> memref<256xf32, #tpu.memory_space<hbm>>
      %dma_wait3A_132 = arith.constant 0 : i32
      %dma_wait3A_133 = tpu.memref_slice %arg5[%add3A, %dma_wait3A_132] : memref<32x256xf32, #tpu.memory_space<hbm>> -> memref<1x256xf32, #tpu.memory_space<hbm>>
      %dma_wait3A_134 = tpu.memref_squeeze %dma_wait3A_133 : memref<1x256xf32, #tpu.memory_space<hbm>> -> memref<256xf32, #tpu.memory_space<hbm>>
      tpu.wait_dma2 semaphore(%run_scoped3A : memref<!tpu.dma_semaphore, #tpu.memory_space<semaphore_mem>>) src(%arg9 : memref<256xf32, #tpu.memory_space<vmem>>) dst(%dma_wait3A_134 : memref<256xf32, #tpu.memory_space<hbm>>)
      tpu.yield
    }) : () -> ()
    return
  }
}

module attributes {stable_mosaic.version = 14 : i64} {
  func.func @_proj_body(%arg0: i32, %arg1: memref<300x8192xf32, #tpu.memory_space<vmem>>, %arg2: memref<2x300xf32, #tpu.memory_space<vmem>>, %arg3: memref<2x1xf32, #tpu.memory_space<vmem>>, %arg4: memref<8192xi32, #tpu.memory_space<vmem>>) attributes {dimension_semantics = [#tpu.dimension_semantics<arbitrary>], iteration_bounds = array<i64: 13>, scalar_prefetch = 0 : i64, scratch_operands = 0 : i64, tpu.core_type = #tpu.core_type<tc>, window_params = [{transform_indices = @transform_0, window_bounds = array<i64: 300, 8192>}, {pipeline_mode = #tpu.pipeline_mode<synchronous>, transform_indices = @transform_1, window_bounds = array<i64: 2, 300>}, {pipeline_mode = #tpu.pipeline_mode<synchronous>, transform_indices = @transform_2, window_bounds = array<i64: 2, 1>}, {transform_indices = @transform_3, window_bounds = array<i64: 8192>}]} {
    %get3A = arith.constant 0 : index
    %get3A_0 = arith.constant 0 : index
    %get3A_1 = vector.load %arg2[%get3A, %get3A_0] : memref<2x300xf32, #tpu.memory_space<vmem>>, vector<2x300xf32>
    %get3A_2 = arith.constant 0 : index
    %get3A_3 = arith.constant 0 : index
    %get3A_4 = vector.load %arg1[%get3A_2, %get3A_3] : memref<300x8192xf32, #tpu.memory_space<vmem>>, vector<300x8192xf32>
    %dot_general3A = arith.constant dense<0.000000e+00> : vector<2x8192xf32>
    %dot_general3A_5 = tpu.matmul %get3A_1, %get3A_4, %dot_general3A {dimension_numbers = #tpu.dot_dimension_numbers<[1], [0], [0], [1], [0, 0, 1, 1], [], []>, transpose_lhs_hint = false} : vector<2x300xf32>, vector<300x8192xf32>, vector<2x8192xf32> -> vector<2x8192xf32>
    %get3A_6 = arith.constant 0 : index
    %get3A_7 = arith.constant 0 : index
    %get3A_8 = vector.load %arg3[%get3A_6, %get3A_7] : memref<2x1xf32, #tpu.memory_space<vmem>>, vector<2x1xf32>
    %add3A = vector.broadcast %get3A_8 : vector<2x1xf32> to vector<2x8192xf32>
    %add3A_9 = arith.addf %dot_general3A_5, %add3A : vector<2x8192xf32>
    %mul3A = arith.constant 5.000000e-03 : f32
    %mul3A_10 = vector.broadcast %mul3A : f32 to vector<2x8192xf32>
    %mul3A_11 = arith.mulf %add3A_9, %mul3A_10 : vector<2x8192xf32>
    %convert_element_type3A = arith.truncf %mul3A_11 : vector<2x8192xf32> to vector<2x8192xbf16>
    %bitcast_convert_type3A = tpu.bitcast %convert_element_type3A : vector<2x8192xbf16> -> vector<2x8192xi16>
    %convert_element_type3A_12 = arith.extui %bitcast_convert_type3A : vector<2x8192xi16> to vector<2x8192xi32>
    %slice3A = vector.extract_strided_slice %convert_element_type3A_12 {offsets = [0, 0], sizes = [1, 8192], strides = [1, 1]} : vector<2x8192xi32> to vector<1x8192xi32>
    %squeeze3A = vector.shape_cast %slice3A : vector<1x8192xi32> to vector<8192xi32>
    %shift_left3A = arith.constant 16 : i32
    %shift_left3A_13 = vector.broadcast %shift_left3A : i32 to vector<8192xi32>
    %shift_left3A_14 = arith.shli %squeeze3A, %shift_left3A_13 : vector<8192xi32>
    %slice3A_15 = vector.extract_strided_slice %convert_element_type3A_12 {offsets = [1, 0], sizes = [1, 8192], strides = [1, 1]} : vector<2x8192xi32> to vector<1x8192xi32>
    %squeeze3A_16 = vector.shape_cast %slice3A_15 : vector<1x8192xi32> to vector<8192xi32>
    %or3A = arith.ori %shift_left3A_14, %squeeze3A_16 : vector<8192xi32>
    %bitcast_convert_type3A_17 = tpu.bitcast %or3A : vector<8192xi32> -> vector<8192xi32>
    %swap3A = arith.constant 0 : index
    %swap3A_18 = vector.load %arg4[%swap3A] : memref<8192xi32, #tpu.memory_space<vmem>>, vector<8192xi32>
    tpu.vector_store %arg4[%swap3A], %bitcast_convert_type3A_17 {strides = array<i32>} : memref<8192xi32, #tpu.memory_space<vmem>>, vector<8192xi32>,
    return
  }
  func.func @transform_0(%arg0: i32) -> (i32, i32) {
    %c0_i32 = arith.constant 0 : i32
    %c0_i32_0 = arith.constant 0 : i32
    return %c0_i32, %arg0 : i32, i32
  }
  func.func @transform_1(%arg0: i32) -> (i32, i32) {
    %c0_i32 = arith.constant 0 : i32
    %c0_i32_0 = arith.constant 0 : i32
    %c0_i32_1 = arith.constant 0 : i32
    return %c0_i32, %c0_i32_0 : i32, i32
  }
  func.func @transform_2(%arg0: i32) -> (i32, i32) {
    %c0_i32 = arith.constant 0 : i32
    %c0_i32_0 = arith.constant 0 : i32
    %c0_i32_1 = arith.constant 0 : i32
    return %c0_i32, %c0_i32_0 : i32, i32
  }
  func.func @transform_3(%arg0: i32) -> i32 {
    %c0_i32 = arith.constant 0 : i32
    return %arg0 : i32
  }
}

</mosaic_0001>

<sc_bundles>
// kernel: kernel.4.cloned.1.call-start
scs
__scs_entry_jumppad:
0x0: {  	(pc) =	sbr.rel $0x88, $3  }
0x1: {  	(tag) =	ssettag $0x0;
	lr =	simm.s32 $0x1  }
0x2: {  	[smem:$0x3F9D] =	sst lr;
	_ =	strace $0xD0000000  }
0x3: {  	_ = 	snop  }
0x4: {  	_ = 	snop  }
0x5: {  	_ = 	snop  }
0x6: {  	_ = 	snop  }
0x7: {  	_ = 	snop  }
__scs_overlays_trampoline_lowered:
0x8: {  	[smem:$0x3FAC] =	sst s0  }
0x9: {  	[smem:$0x3FAD] =	sst s1  }
0xa: {  	[smem:$0x3FAE] =	sst s2  }
0xb: {  	[smem:$0x3FAF] =	sst s3  }
0xc: {  	[smem:$0x3FB0] =	sst s4  }
0xd: {  	[smem:$0x3FB1] =	sst s5  }
0xe: {  	[smem:$0x3FB2] =	sst s6  }
0xf: {  	[smem:$0x3FB3] =	sst s7  }
0x10: {  	[smem:$0x3FB4] =	sst s8  }
0x11: {  	[smem:$0x3FB5] =	sst s9;
	s0 =	simm.s32 @!p0 $0x0  }
0x12: {  	s1 =	sld [smem:$0x3F9B];
	s0 =	simm.s32 @p0 $0x1  }
0x13: {  	[smem:$0x3FB6] =	sst s0;
	s0 =	simm.s32 @!p1 $0x0  }
0x14: {  	s2 =	sld [smem:$0x3F9A];
	s0 =	simm.s32 @p1 $0x1  }
0x15: {  	[smem:$0x3FB7] =	sst s0;
	s0 =	simm.s32 @!p2 $0x0  }
0x16: {  	s3 =	sld [smem:$0x3FDB];
	s0 =	simm.s32 @p2 $0x1  }
0x17: {  	s4 =	simm.s32 $0x1BF5;
	[smem:$0x3FB9] =	sst s0  }
0x18: {  	s0 =	sld [smem:$0x3F9C];
	_ =	swait.ge [sflag:s4], $0x0  }
0x19: {  	s7 =	sld [smem:$0x3F9D]  }
0x1a: {  	s8 =	sadd.s32 $0xFFFFE003, lr  }
0x1b: {  	s9 =	sadd.s32 $0xFFFFFEF7, lr;
	s5 =	simm.s32 $0xFFFFFFFF;
	p2 =	slt.u32 s8, $0xFFFFF086  }
0x1c: {  	p1 =	slt.u32 s9, $0xF7A;
	s5 =	simm.s32 @!p2 $0x0  }
0x1d: {  	s5 =	simm.s32 @p1 $0x1;
	p0 =	seq.s32 s7, s2  }
0x1e: {  	s7 =	smul.u32 @!p0 $0xF7A, s2;
	p2 =	seq.s32 @!p0 s5, $0x0  }
0x1f: {  	s9 =	smul.u32 $0xF7A, s1;
	s8 =	simm.s32 @!p0 $0x1BF5;
	p2 =	por !p2, p0  }
0x20: {  	[sflag:s8] =	ssyncset.s32 @!p0 $0xFFFFF086;
	s6 =	sadd.s32 @!p0 s3, s7;
	s7 =	simm.s32 @!p0 $0x108  }
0x21: {  	s3 =	sadd.s32 s3, s9;
	s6 =	sadd.s32 @!p0 $0x88, s6;
	s7 =	simm.s32 @p2 $0x1082  }
0x22: {  	[simem:s7], [sflag:s8] =	dma.local @!p0 [hbm:s6], $0xF7A  }
0x23: {  	s9 =	sor.u32 $0xD0000000, s2;
	s6 =	simm.s32 $0x108;
	_ =	swait.ge @!p0 [sflag:s8], $0x0  }
0x24: {  	s3 =	sadd.s32 $0x88, s3;
	s6 =	simm.s32 @!p1 $0x1082;
	[sflag:s4] =	ssyncset.s32 $0xFFFFF086  }
0x25: {  	[simem:s6], [sflag:s4] =	dma.local [hbm:s3], $0xF7A  }
0x26: {  	[smem:$0x3F9D] =	sst s1;
	(tag) =	ssettag s2;
	_ =	strace s9  }
0x27: {  	s1 =	sld [smem:$0x3FAD]  }
0x28: {  	s2 =	sld [smem:$0x3FAE]  }
0x29: {  	s4 =	sld [smem:$0x3FB0]  }
0x2a: {  	p0 =	seq.s32 s5, $0x0;
	s5 =	sld [smem:$0x3FB1]  }
0x2b: {  	s6 =	sld [smem:$0x3FB2]  }
0x2c: {  	s7 =	sld [smem:$0x3FB3]  }
0x2d: {  	s3 =	simm.s32 $0x108;
	s8 =	sld [smem:$0x3FB4]  }
0x2e: {  	s3 =	simm.s32 @!p0 $0x1082;
	s9 =	sld [smem:$0x3FB5]  }
0x2f: {  	lr =	sadd.s32 s0, s3;
	s0 =	sld [smem:$0x3FAC]  }
0x30: {  	s3 =	sld [smem:$0x3FAF]  }
0x31: {  	[smem:$0x3FB8] =	sst s10  }
0x32: {  	s10 =	sld [smem:$0x3FB6];
	_ =	sdelay $0x3  }
0x33: {  	p0 =	seq.s32 s10, $0x1;
	s10 =	sld [smem:$0x3FB8];
	_ =	sdelay $0x3  }
0x34: {  	[smem:$0x3FB8] =	sst s10  }
0x35: {  	s10 =	sld [smem:$0x3FB7];
	_ =	sdelay $0x3  }
0x36: {  	p1 =	seq.s32 s10, $0x1;
	s10 =	sld [smem:$0x3FB8];
	_ =	sdelay $0x3  }
0x37: {  	[smem:$0x3FB8] =	sst s10  }
0x38: {  	s10 =	sld [smem:$0x3FB9]  }
0x39: {  	_ = 	snop;
	(pc) =	sbr.ind lr, $3  }
0x3a: {  	_ = 	snop  }
0x3b: {  	_ = 	snop  }
0x3c: {  	p2 =	seq.s32 s10, $0x1;
	s10 =	sld [smem:$0x3FB8]  }
0x3d: {  	_ =	shalt  }
0x3e: {  	_ =	shalt  }
0x3f: {  	_ =	shalt  }
0x40: {  	_ =	shalt  }
0x41: {  	_ =	shalt  }
0x42: {  	_ =	shalt  }
0x43: {  	_ =	shalt  }
0x44: {  	_ =	shalt  }
0x45: {  	_ =	shalt  }
0x46: {  	_ =	shalt  }
0x47: {  	_ =	shalt  }
0x48: {  	_ =	shalt  }
0x49: {  	_ =	shalt  }
0x4a: {  	_ =	shalt  }
0x4b: {  	_ =	shalt  }
0x4c: {  	_ =	shalt  }
0x4d: {  	_ =	shalt  }
0x4e: {  	_ =	shalt  }
0x4f: {  	_ =	shalt  }
0x50: {  	_ =	shalt  }
0x51: {  	_ =	shalt  }
0x52: {  	_ =	shalt  }
0x53: {  	_ =	shalt  }
0x54: {  	_ =	shalt  }
0x55: {  	_ =	shalt  }
0x56: {  	_ =	shalt  }
0x57: {  	_ =	shalt  }
0x58: {  	_ =	shalt  }
0x59: {  	_ =	shalt  }
0x5a: {  	_ =	shalt  }
0x5b: {  	_ =	shalt  }
0x5c: {  	_ =	shalt  }
0x5d: {  	_ =	shalt  }
0x5e: {  	_ =	shalt  }
0x5f: {  	_ =	shalt  }
0x60: {  	_ =	shalt  }
0x61: {  	_ =	shalt  }
0x62: {  	_ =	shalt  }
0x63: {  	_ =	shalt  }
0x64: {  	_ =	shalt  }
0x65: {  	_ =	shalt  }
0x66: {  	_ =	shalt  }
0x67: {  	_ =	shalt  }
0x68: {  	_ =	shalt  }
0x69: {  	_ =	shalt  }
0x6a: {  	_ =	shalt  }
0x6b: {  	_ =	shalt  }
0x6c: {  	_ =	shalt  }
0x6d: {  	_ =	shalt  }
0x6e: {  	_ =	shalt  }
0x6f: {  	_ =	shalt  }
0x70: {  	_ =	shalt  }
0x71: {  	_ =	shalt  }
0x72: {  	_ =	shalt  }
0x73: {  	_ =	shalt  }
0x74: {  	_ =	shalt  }
0x75: {  	_ =	shalt  }
0x76: {  	_ =	shalt  }
0x77: {  	_ =	shalt  }
0x78: {  	_ =	shalt  }
0x79: {  	_ =	shalt  }
0x7a: {  	_ =	shalt  }
0x7b: {  	_ =	shalt  }
0x7c: {  	_ =	shalt  }
0x7d: {  	_ =	shalt  }
0x7e: {  	_ =	shalt  }
0x7f: {  	_ =	shalt  }
0x80: {  	_ =	shalt  }
0x81: {  	_ =	shalt  }
0x82: {  	_ =	shalt  }
0x83: {  	_ =	shalt  }
0x84: {  	_ =	shalt  }
0x85: {  	_ =	shalt  }
0x86: {  	_ =	shalt  }
0x87: {  	_ =	shalt  }
.Lfunc_end0:
.L_simem_size_0:
called_computation_lowered:
.L_overlay_start_0:
0x88: {  	s2 =	sld [smem:$0x3FD9]  }
0x89: {  	s3 =	sld [smem:$0x3FFE];
	_ =	sdelay $0x1  }
0x8a: {  	s1 =	srdreg.scid  }
0x8b: {  	s0 =	sand.u32 $0x1, s1  }
0x8c: {  	s17 =	sshll.u32 s0, $0xA;
	s2 =	sadd.s32 s3, s2  }
0x8d: {  	s2 =	sadd.s32 s2, s17  }
0x8e: {  	[smem:$0x3FC4] =	sst s2  }
0x8f: {  	_ = 	snop  }
0x90: {  	s2 =	sld [smem:$0x3FD0];
	(tm) =	ssettm $0x1  }
0x91: {  	s18 =	sld [smem:$0x3FFB];
	_ =	sdelay $0x3  }
0x92: {  	_ =	strace s18  }
0x93: {  	s3 =	sld [smem:$0x3FFC];
	_ =	sdelay $0x3  }
0x94: {  	_ =	strace s3  }
0x95: {  	s3 =	sld [smem:$0x3FFD];
	_ =	sdelay $0x3  }
0x96: {  	_ =	strace s3  }
0x97: {  	_ =	strace $0x8FFFFFFF  }
0x98: {  	s19 =	sld [smem:$0x3FDB];
	_ =	sdelay $0x1  }
0x99: {  	s4 =	simm.s32 $_scs_section_size  }
0x9a: {  	s5 =	simm.s32 $_size__tile_overlayer_lowered;
	s6 =	simm.s32 $_tile_overlayer_lowered  }
0x9b: {  	s22 =	simm.s32 $0x1BFF;
	s21 =	sshll.u32 s6, $0x1;
	s3 =	sadd.s32 s4, s19  }
0x9c: {  	s7 =	simm.s32 $0x0;
	s20 =	sshll.u32 s5, $0x1;
	s5 =	sadd.s32 s21, s3  }
0x9d: {  	[timem:s7], [sflag:s22] =	dma.local [hbm:s5], s20  }
0x9e: {  	_ =	swait.ge [sflag:s22], s20  }
0x9f: {  	s4 =	ssub.s32 $0x0, s20;
	[sflag:s22] =	ssyncset.done $0x0  }
0xa0: {  	[sflag:s22] =	ssyncadd.s32 s4;
	_ =	sdelay $0x1  }
0xa1: {  	s23 =	simm.s32 $0x1B8B  }
0xa2: {  	_ =	swait.ge [sflag:s23], $0x1  }
0xa3: {  	[sflag:s23] =	ssyncset.done $0x0  }
0xa4: {  	s25 =	simm.s32 $0x1B8E;
	s24 =	sld [smem:$0x3FFE];
	[sflag:s23] =	ssyncadd.s32 $0xFFFFFFFF  }
0xa5: {  	s26 =	simm.s32 $execute0_lowered;
	[smem:$0x3FD2] =	sst s25  }
0xa6: {  	s5 =	sshll.u32 s26, $0x1;
	_ =	strace $0x80000046;
	[dreg:$0x1] =	wrdreg $0xFFFFFFFF  }
0xa7: {  	s28 =	simm.s32 $_size_execute0_lowered;
	s3 =	sadd.s32 s3, s5;
	[dreg:$0x0] =	wrdreg $0x0  }
0xa8: {  	s5 =	sshll.u32 s28, $0x1;
	[dreg:$0x2] =	wrdreg s3  }
0xa9: {  	[dreg:$0x3] =	wrdreg s5  }
0xaa: {  	[dreg:$0x4] =	wrdreg $0xC0  }
0xab: {  	_ =	task [dreg:s7], $0x5FFFF  }
0xac: {  	[dreg:$0x1] =	wrdreg $0xFFFFFFFF  }
0xad: {  	[dreg:$0x0] =	wrdreg $0x60  }
0xae: {  	[dreg:$0x2] =	wrdreg s24  }
0xaf: {  	[dreg:$0x3] =	wrdreg s2  }
0xb0: {  	[dreg:$0x4] =	wrdreg $0x9  }
0xb1: {  	_ =	task.clear_ibuf [dreg:s7], $0x5FFFF;
	_ =	strace $0x90000046  }
0xb2: {  	s29 =	simm.s32 $0x9;
	_ =	strace $0x80000048  }
0xb3: {  	_ =	swait.ge [sflag:s29], $0x1  }
0xb4: {  	[sflag:s29] =	ssyncadd.s32 $0xFFFFFFFF  }
0xb5: {  	_ =	strace $0x90000048  }
0xb6: {  	_ =	sfence  }
0xb7: {  	s30 =	sld [smem:$0x0];
	_ =	sdelay $0x2  }
0xb8: {  	s31 =	sshll.u32 s1, $0xD;
	s1 =	sshrl.u32 s1, $0x2  }
0xb9: {  	s3 =	sand.u32 $0x4000, s31;
	s1 =	sadd.s32 s1, s30  }
0xba: {  	s0 =	sor.u32 s3, s0;
	s1 =	sshll.u32 s1, $0x11  }
0xbb: {  	s0 =	sor.u32 s1, s0  }
0xbc: {  	s0 =	sadd.s32 $0x8F2B, s0  }
0xbd: {  	[sflag:s0] =	ssyncadd.remote.s32 $0x1  }
0xbe: {  	_ =	sfence.sel $0xFFFF  }
0xbf: {  	[dreg:$0x0] =	wrdreg $0xFFFFFFFF;
	(pc) =	sbr.abs _section_cstart, $3  }
0xc0: {  	[dreg:$0x1] =	wrdreg $0xFFFFFFFF  }
0xc1: {  	_ =	task.clear_ibuf [dreg:s7], $0x2FFFF;
	_ =	strace $0x9FFFFFFF  }
0xc2: {  	(tm) =	ssettm $0x7FFFFFFF  }
0xc3: {  	_ =	shalt  }
tec
execute0_lowered:
.L_overlay_start_1:
0x0: {  	(tag) =	ssettag $0x1  }
0x1: {  	s0 =	rddreg [dreg:$0x0];
	s1 =	srdreg.scid  }
0x2: {  	s2 =	stileid.u32;
	s6 =	rddreg [dreg:$0x1]  }
0x3: {  	s10 =	simm.s32 $0x80;
	s11 =	simm.s32 $0x6400;
	s12 =	simm.s32 $0x6480  }
0x4: {  	s14 =	simm.s32 $0x6500;
	s16 =	simm.s32 $0x6580;
	s18 =	simm.s32 $0x6600  }
0x5: {  	s20 =	simm.s32 $0x6680;
	s22 =	simm.s32 $0x6700;
	s24 =	simm.s32 $0x6780  }
0x6: {  	s28 =	simm.s32 $0x3;
	s29 =	simm.s32 $0x4;
	s30 =	simm.s32 $0x5  }
0x7: {  	s31 =	simm.s32 $0x6;
	s1 =	sand.u32 $0x1, s1;
	s3 =	sshll.u32 s2, $0x1  }
0x8: {  	s13 =	simm.s32 $0x0;
	s2 =	simm.s32 $0x0;
	s5 =	sor.u32 s1, s3  }
0x9: {  	[smem:$0x7FF] =	sst s2;
	s1 =	ssub.s32 $0x2, s1;
	s3 =	sadd.s32 $0x19E00, s0  }
0xa: {  	s4 =	smul.u32 $0xC80, s5;
	_ =	strace $0x80000047;
	s8 =	sshrl.u32 s1, $0x1  }
.Ltmp0:
0xb: {  	s26 =	sshll.u32 s5, $0x5;
	s25 =	ssub.s32 s1, s8;
	(pc) =	sbr.rel .LBB2_1-.Ltmp0, $4  }
0xc: {  	s6 =	sadd.s32 s6, s26;
	s8 =	simm.s32 $0x9;
	s26 =	simm.s32 $0x2  }
0xd: {  	s1 =	simm.s32 $0x7;
	s7 =	sadd.s32 s4, s0;
	s0 =	sadd.s32 $0x19C00, s0  }
0xe: {  	[dreg:$0x3] =	wrdreg s0;
	s4 =	sadd.s32 $0xC00, s7;
	s7 =	smax.u32 s25, $0x1  }
0xf: {  	s25 =	simm.s32 $0x1;
	s0 =	simm.s32 $0x8;
	[dreg:$0x4] =	wrdreg s4  }
.LBB2_4:
0x10: {  	s13 =	sadd.s32 $0x1, s13  }
0x11: {  	p0 =	sne.s32 s13, s7  }
.Ltmp1:
0x12: {  	s4 =	simm.s32 $0x68A0;
	(pc) =	sbr.rel @!p0 .LBB2_5-.Ltmp1, $4  }
0x13: {  	[hbm4b:s6+s2] =	stream.linear.scatter [tilespmem:s4], [sflag:$0x9], $0x100, $0x38;
	[tilespmem:$0x69A0] =	vst v63  }
0x14: {  	_ =	swait.ge [sflag:s8], $0x100  }
0x15: {  	[sflag:s8] =	ssyncset.done $0x0  }
0x16: {  	[sflag:s8] =	ssyncadd.s32 $0xFFFFFF00  }
.LBB2_1:
0x17: {  	s4 =	rddreg [dreg:$0x4]  }
0x18: {  	[tilespmem:s2], [sflag:$0x9] =	stream.linear.gather [hbm4b:s4+s2], $0x6400, $0x38;
	[tilespmem:$0x69A0] =	vst v63  }
0x19: {  	_ =	swait.ge [sflag:s8], $0x6400  }
0x1a: {  	[sflag:s8] =	ssyncset.done $0x0  }
0x1b: {  	s5 =	simm.s32 $0x6800;
	s23 =	rddreg [dreg:$0x3];
	[sflag:s8] =	ssyncadd.s32 $0xFFFF9C00  }
0x1c: {  	[tilespmem:s5], [sflag:$0x9] =	stream.linear.gather [hbm4b:s23+s2], $0xA0, $0x38;
	[tilespmem:$0x69A0] =	vst v63  }
0x1d: {  	_ =	swait.ge [sflag:s8], $0xA0  }
0x1e: {  	[sflag:s8] =	ssyncset.done $0x0  }
0x1f: {  	[sflag:s8] =	ssyncadd.s32 $0xFFFFFF60  }
0x20: {  	v0 =	vld [tilespmem:$0x6800]  }
0x21: {  	v1 =	vld [tilespmem:$0x6810]  }
0x22: {  	v2 =	vld [tilespmem:$0x6820]  }
0x23: {  	v3 =	vld [tilespmem:$0x6830]  }
0x24: {  	v4 =	vld [tilespmem:$0x6840]  }
0x25: {  	v5 =	vld [tilespmem:$0x6850]  }
0x26: {  	v6 =	vld [tilespmem:$0x6860]  }
0x27: {  	v7 =	vld [tilespmem:$0x6870]  }
0x28: {  	v8 =	vld [tilespmem:$0x6880]  }
0x29: {  	v9 =	vld [tilespmem:$0x6890];
	[tilespmem:s11], [sflag:$0x1] =	stream.indirect.gather [hbm4b:s3+s10], $0x1, s2, s10, $0xb8  }
0x2a: {  	_ = 	snop  }
0x2b: {  	[tilespmem:s12], [sflag:$0x2] =	stream.indirect.gather [hbm4b:s3+s10], $0x1, s10, s10, $0xb8;
	[tilespmem:$0x69A0] =	vst v63  }
0x2c: {  	s9 =	simm.s32 $0x100  }
0x2d: {  	[tilespmem:s14], [sflag:$0x3] =	stream.indirect.gather [hbm4b:s3+s10], $0x1, s9, s10, $0xb8;
	[tilespmem:$0x69A0] =	vst v63  }
0x2e: {  	s15 =	simm.s32 $0x180  }
0x2f: {  	[tilespmem:s16], [sflag:$0x4] =	stream.indirect.gather [hbm4b:s3+s10], $0x1, s15, s10, $0xb8;
	[tilespmem:$0x69A0] =	vst v63  }
0x30: {  	s17 =	simm.s32 $0x200  }
0x31: {  	[tilespmem:s18], [sflag:$0x5] =	stream.indirect.gather [hbm4b:s3+s10], $0x1, s17, s10, $0xb8;
	[tilespmem:$0x69A0] =	vst v63  }
0x32: {  	s19 =	simm.s32 $0x280  }
0x33: {  	[tilespmem:s20], [sflag:$0x6] =	stream.indirect.gather [hbm4b:s3+s10], $0x1, s19, s10, $0xb8;
	[tilespmem:$0x69A0] =	vst v63  }
0x34: {  	s21 =	simm.s32 $0x300;
	s23 =	simm.s32 $0x380  }
0x35: {  	[tilespmem:s22], [sflag:$0x7] =	stream.indirect.gather [hbm4b:s3+s10], $0x1, s21, s10, $0xb8;
	[tilespmem:$0x69A0] =	vst v63  }
0x36: {  	s15 =	simm.s32 $0xFFFFFFF9;
	s17 =	simm.s32 $0x0;
	s19 =	simm.s32 $0x0  }
0x37: {  	[tilespmem:s24], [sflag:$0x8] =	stream.indirect.gather [hbm4b:s3+s10], $0x1, s23, s10, $0xb8;
	[tilespmem:$0x69A0] =	vst v63  }
.LBB2_2:
0x38: {  	_ = 	snop  }
0x39: {  	_ =	swait.ge [sflag:s25], $0x80  }
0x3a: {  	[sflag:s25] =	ssyncset.done $0x0  }
0x3b: {  	[sflag:s25] =	ssyncadd.s32 $0xFFFFFF80  }
0x3c: {  	v10 =	vld.idx.msk [tilespmem:v0+s11+$0x0], $0xffff  }
0x3d: {  	v11 =	vld.idx.msk [tilespmem:v1+s11+$0x0], $0xffff;
	_ =	sdelay $0x1  }
0x3e: {  	v12 =	vld.idx.msk [tilespmem:v2+s11+$0x0], $0xffff;
	_ =	sdelay $0x1  }
0x3f: {  	v13 =	vld.idx.msk [tilespmem:v3+s11+$0x0], $0xffff  }
0x40: {  	v14 =	vand.u32 v8, v10;
	v15 =	vand.u32 v8, v11  }
0x41: {  	v20 =	vld.idx.msk [tilespmem:v4+s11+$0x0], $0xffff;
	v10 =	vshll.u32 v10, v9;
	v11 =	vshll.u32 v11, v9;
	v14 =	vadd.f32 v15, v14  }
0x42: {  	v10 =	vadd.f32 v11, v10;
	v11 =	vand.u32 v8, v12  }
0x43: {  	s21 =	smul.u32 $0x29, s17;
	v21 =	vld.idx.msk [tilespmem:v5+s11+$0x0], $0xffff;
	v12 =	vshll.u32 v12, v9;
	v11 =	vadd.f32 v11, v14  }
0x44: {  	v22 =	vand.u32 v8, v13;
	v10 =	vadd.f32 v12, v10  }
0x45: {  	s21 =	sshrl.u32 s21, $0xA;
	v24 =	vld.idx.msk [tilespmem:v6+s11+$0x0], $0xffff;
	v23 =	vshll.u32 v13, v9;
	v11 =	vadd.f32 v22, v11  }
0x46: {  	s21 =	sand.u32 $0x3F, s21;
	v25 =	vand.u32 v8, v20;
	v10 =	vadd.f32 v23, v10  }
0x47: {  	v27 =	vld.idx.msk [tilespmem:v7+s11+$0x0], $0xffff;
	s23 =	smul.u32 $0xFFFFFFE7, s21;
	v26 =	vshll.u32 v20, v9;
	v11 =	vadd.f32 v25, v11  }
0x48: {  	s9 =	sadd.s32 $0x7, s15;
	v28 =	vand.u32 v8, v21;
	v10 =	vadd.f32 v26, v10  }
0x49: {  	s21 =	sshll.u32 s21, $0x4;
	p1 =	sne.s32 s9, s23;
	v29 =	vshll.u32 v21, v9;
	v11 =	vadd.f32 v28, v11  }
0x4a: {  	s9 =	sadd.s32 $0x80, s21;
	v30 =	vand.u32 v8, v24;
	v14 =	vld @p1 [tilespmem:s21+$0x68A0];
	v10 =	vadd.f32 v29, v10  }
0x4b: {  	v31 =	vshll.u32 v24, v9;
	v13 =	vld @p1 [tilespmem:s9+$0x68A0];
	v11 =	vadd.f32 v30, v11  }
0x4c: {  	v32 =	vand.u32 v8, v27;
	v10 =	vadd.f32 v31, v10  }
0x4d: {  	v33 =	vshll.u32 v27, v9;
	v11 =	vadd.f32 v32, v11  }
0x4e: {  	v10 =	vadd.f32 v33, v10  }
0x4f: {  	v12 =	vadd.f32 @p1 v14, v11  }
0x50: {  	v13 =	vadd.f32 @p1 v13, v10  }
0x51: {  	[tilespmem:s21+$0x68A0] =	vst @p1 v12  }
0x52: {  	p0 =	seq.s32 s19, $0x18000;
	[tilespmem:s9+$0x68A0] =	vst @p1 v13  }
0x53: {  	[tilespmem:s21+$0x68A0] =	vst @!p1 v11;
	s21 =	sshra.s32 @!p0 s19, $0x2  }
0x54: {  	s4 =	simm.s32 @!p0 $0x6400;
	s23 =	simm.s32 @!p0 $0x80;
	[tilespmem:s9+$0x68A0] =	vst @!p1 v10;
	s9 =	sadd.s32 @!p0 $0x400, s21  }
0x55: {  	[tilespmem:s4], [sflag:$0x1] =	stream.indirect.gather @!p0 [hbm4b:s3+s23], $0x1, s9, s23, $0xb8;
	[tilespmem:$0x69A0] =	vst v63  }
0x56: {  	_ =	swait.ge [sflag:s26], $0x80  }
0x57: {  	[sflag:s26] =	ssyncset.done $0x0  }
0x58: {  	[sflag:s26] =	ssyncadd.s32 $0xFFFFFF80  }
0x59: {  	v10 =	vld.idx.msk [tilespmem:v0+s12+$0x0], $0xffff  }
0x5a: {  	v11 =	vld.idx.msk [tilespmem:v1+s12+$0x0], $0xffff;
	_ =	sdelay $0x1  }
0x5b: {  	v34 =	vld.idx.msk [tilespmem:v2+s12+$0x0], $0xffff;
	_ =	sdelay $0x1  }
0x5c: {  	v35 =	vld.idx.msk [tilespmem:v3+s12+$0x0], $0xffff  }
0x5d: {  	v36 =	vand.u32 v8, v10;
	v37 =	vand.u32 v8, v11  }
0x5e: {  	s9 =	sor.u32 $0x1, s17;
	v38 =	vld.idx.msk [tilespmem:v4+s12+$0x0], $0xffff;
	v10 =	vshll.u32 v10, v9;
	v11 =	vshll.u32 v11, v9;
	v14 =	vadd.f32 v37, v36  }
0x5f: {  	s4 =	sand.u32 $0xFF, s9;
	v10 =	vadd.f32 v11, v10;
	v11 =	vand.u32 v8, v34  }
0x60: {  	s4 =	smul.u32 $0x29, s4;
	v39 =	vld.idx.msk [tilespmem:v5+s12+$0x0], $0xffff;
	v12 =	vshll.u32 v34, v9;
	v11 =	vadd.f32 v11, v14  }
0x61: {  	v40 =	vand.u32 v8, v35;
	v10 =	vadd.f32 v12, v10  }
0x62: {  	v42 =	vld.idx.msk [tilespmem:v6+s12+$0x0], $0xffff;
	s4 =	sshrl.u32 s4, $0xA;
	v41 =	vshll.u32 v35, v9;
	v11 =	vadd.f32 v40, v11  }
0x63: {  	s5 =	smul.u32 $0xFFFFFFE7, s4;
	v43 =	vand.u32 v8, v38;
	v10 =	vadd.f32 v41, v10  }
0x64: {  	v45 =	vld.idx.msk [tilespmem:v7+s12+$0x0], $0xffff;
	v44 =	vshll.u32 v38, v9;
	v11 =	vadd.f32 v43, v11  }
0x65: {  	s9 =	sxor.u32 s17, s5;
	v46 =	vand.u32 v8, v39;
	v10 =	vadd.f32 v44, v10  }
0x66: {  	s4 =	sshll.u32 s4, $0x4;
	p1 =	sne.s32 s9, $0xFFFFFFFF;
	v47 =	vshll.u32 v39, v9;
	v11 =	vadd.f32 v46, v11  }
0x67: {  	s9 =	sadd.s32 $0x80, s4;
	v48 =	vand.u32 v8, v42;
	v14 =	vld @p1 [tilespmem:s4+$0x68A0];
	v10 =	vadd.f32 v47, v10  }
0x68: {  	v49 =	vshll.u32 v42, v9;
	v13 =	vld @p1 [tilespmem:s9+$0x68A0];
	v11 =	vadd.f32 v48, v11  }
0x69: {  	v50 =	vand.u32 v8, v45;
	v10 =	vadd.f32 v49, v10  }
0x6a: {  	v51 =	vshll.u32 v45, v9;
	v11 =	vadd.f32 v50, v11  }
0x6b: {  	v10 =	vadd.f32 v51, v10  }
0x6c: {  	v12 =	vadd.f32 @p1 v14, v11  }
0x6d: {  	v13 =	vadd.f32 @p1 v13, v10  }
0x6e: {  	[tilespmem:s4+$0x68A0] =	vst @p1 v12  }
0x6f: {  	[tilespmem:s9+$0x68A0] =	vst @p1 v13  }
0x70: {  	[tilespmem:s4+$0x68A0] =	vst @!p1 v11  }
0x71: {  	[tilespmem:s9+$0x68A0] =	vst @!p1 v10;
	s4 =	sadd.s32 @!p0 $0x480, s21;
	s9 =	simm.s32 @!p0 $0x6480  }
0x72: {  	[tilespmem:s9], [sflag:$0x2] =	stream.indirect.gather @!p0 [hbm4b:s3+s23], $0x1, s4, s23, $0xb8;
	[tilespmem:$0x69A0] =	vst v63  }
0x73: {  	_ =	swait.ge [sflag:s28], $0x80  }
0x74: {  	[sflag:s28] =	ssyncset.done $0x0  }
0x75: {  	[sflag:s28] =	ssyncadd.s32 $0xFFFFFF80  }
0x76: {  	v10 =	vld.idx.msk [tilespmem:v0+s14+$0x0], $0xffff  }
0x77: {  	v11 =	vld.idx.msk [tilespmem:v1+s14+$0x0], $0xffff;
	_ =	sdelay $0x1  }
0x78: {  	v52 =	vld.idx.msk [tilespmem:v2+s14+$0x0], $0xffff;
	_ =	sdelay $0x1  }
0x79: {  	v53 =	vld.idx.msk [tilespmem:v3+s14+$0x0], $0xffff  }
0x7a: {  	v54 =	vand.u32 v8, v10;
	v55 =	vand.u32 v8, v11  }
0x7b: {  	v56 =	vld.idx.msk [tilespmem:v4+s14+$0x0], $0xffff;
	v10 =	vshll.u32 v10, v9;
	v11 =	vshll.u32 v11, v9;
	v14 =	vadd.f32 v55, v54  }
0x7c: {  	s9 =	sor.u32 $0x2, s17;
	v10 =	vadd.f32 v11, v10;
	v11 =	vand.u32 v8, v52  }
0x7d: {  	s4 =	sand.u32 $0xFF, s9;
	v57 =	vld.idx.msk [tilespmem:v5+s14+$0x0], $0xffff;
	v12 =	vshll.u32 v52, v9;
	v11 =	vadd.f32 v11, v14  }
0x7e: {  	s4 =	smul.u32 $0x29, s4;
	v58 =	vand.u32 v8, v53;
	v10 =	vadd.f32 v12, v10  }
0x7f: {  	v60 =	vld.idx.msk [tilespmem:v6+s14+$0x0], $0xffff;
	v59 =	vshll.u32 v53, v9;
	v11 =	vadd.f32 v58, v11  }
0x80: {  	s4 =	sshrl.u32 s4, $0xA;
	v61 =	vand.u32 v8, v56;
	v10 =	vadd.f32 v59, v10  }
0x81: {  	v63 =	vld.idx.msk [tilespmem:v7+s14+$0x0], $0xffff;
	s9 =	smul.u32 $0xFFFFFFE7, s4;
	v62 =	vshll.u32 v56, v9;
	v11 =	vadd.f32 v61, v11  }
0x82: {  	s5 =	sadd.s32 $0x5, s15;
	v16 =	vand.u32 v8, v57;
	v10 =	vadd.f32 v62, v10  }
0x83: {  	s4 =	sshll.u32 s4, $0x4;
	p1 =	sne.s32 s5, s9;
	v17 =	vshll.u32 v57, v9;
	v11 =	vadd.f32 v16, v11  }
0x84: {  	s5 =	sadd.s32 $0x80, s4;
	v18 =	vand.u32 v8, v60;
	v14 =	vld @p1 [tilespmem:s4+$0x68A0];
	v10 =	vadd.f32 v17, v10  }
0x85: {  	v13 =	vld @p1 [tilespmem:s5+$0x68A0];
	v19 =	vshll.u32 v60, v9;
	v11 =	vadd.f32 v18, v11  }
0x86: {  	v20 =	vand.u32 v8, v63;
	v10 =	vadd.f32 v19, v10  }
0x87: {  	v21 =	vshll.u32 v63, v9;
	v11 =	vadd.f32 v20, v11  }
0x88: {  	v10 =	vadd.f32 v21, v10  }
0x89: {  	v12 =	vadd.f32 @p1 v14, v11  }
0x8a: {  	v13 =	vadd.f32 @p1 v13, v10  }
0x8b: {  	[tilespmem:s4+$0x68A0] =	vst @p1 v12  }
0x8c: {  	[tilespmem:s5+$0x68A0] =	vst @p1 v13  }
0x8d: {  	[tilespmem:s4+$0x68A0] =	vst @!p1 v11  }
0x8e: {  	[tilespmem:s5+$0x68A0] =	vst @!p1 v10;
	s4 =	sadd.s32 @!p0 $0x500, s21;
	s5 =	simm.s32 @!p0 $0x6500  }
0x8f: {  	[tilespmem:s5], [sflag:$0x3] =	stream.indirect.gather @!p0 [hbm4b:s3+s23], $0x1, s4, s23, $0xb8;
	[tilespmem:$0x69A0] =	vst v63  }
0x90: {  	_ =	swait.ge [sflag:s29], $0x80  }
0x91: {  	[sflag:s29] =	ssyncset.done $0x0  }
0x92: {  	[sflag:s29] =	ssyncadd.s32 $0xFFFFFF80  }
0x93: {  	v10 =	vld.idx.msk [tilespmem:v0+s16+$0x0], $0xffff  }
0x94: {  	v11 =	vld.idx.msk [tilespmem:v1+s16+$0x0], $0xffff;
	_ =	sdelay $0x1  }
0x95: {  	v22 =	vld.idx.msk [tilespmem:v2+s16+$0x0], $0xffff;
	_ =	sdelay $0x1  }
0x96: {  	v23 =	vld.idx.msk [tilespmem:v3+s16+$0x0], $0xffff  }
0x97: {  	v24 =	vand.u32 v8, v10;
	v25 =	vand.u32 v8, v11  }
0x98: {  	v26 =	vld.idx.msk [tilespmem:v4+s16+$0x0], $0xffff;
	v10 =	vshll.u32 v10, v9;
	v11 =	vshll.u32 v11, v9;
	v14 =	vadd.f32 v25, v24  }
0x99: {  	s5 =	sor.u32 $0x3, s17;
	v10 =	vadd.f32 v11, v10;
	v11 =	vand.u32 v8, v22  }
0x9a: {  	s4 =	sand.u32 $0xFF, s5;
	v27 =	vld.idx.msk [tilespmem:v5+s16+$0x0], $0xffff;
	v12 =	vshll.u32 v22, v9;
	v11 =	vadd.f32 v11, v14  }
0x9b: {  	s4 =	smul.u32 $0x29, s4;
	v28 =	vand.u32 v8, v23;
	v10 =	vadd.f32 v12, v10  }
0x9c: {  	v30 =	vld.idx.msk [tilespmem:v6+s16+$0x0], $0xffff;
	v29 =	vshll.u32 v23, v9;
	v11 =	vadd.f32 v28, v11  }
0x9d: {  	s4 =	sshrl.u32 s4, $0xA;
	v31 =	vand.u32 v8, v26;
	v10 =	vadd.f32 v29, v10  }
0x9e: {  	v33 =	vld.idx.msk [tilespmem:v7+s16+$0x0], $0xffff;
	s5 =	smul.u32 $0xFFFFFFE7, s4;
	v32 =	vshll.u32 v26, v9;
	v11 =	vadd.f32 v31, v11  }
0x9f: {  	s9 =	sadd.s32 $0x4, s15;
	v34 =	vand.u32 v8, v27;
	v10 =	vadd.f32 v32, v10  }
0xa0: {  	s4 =	sshll.u32 s4, $0x4;
	p1 =	sne.s32 s9, s5;
	v35 =	vshll.u32 v27, v9;
	v11 =	vadd.f32 v34, v11  }
0xa1: {  	s5 =	sadd.s32 $0x80, s4;
	v36 =	vand.u32 v8, v30;
	v14 =	vld @p1 [tilespmem:s4+$0x68A0];
	v10 =	vadd.f32 v35, v10  }
0xa2: {  	v13 =	vld @p1 [tilespmem:s5+$0x68A0];
	v37 =	vshll.u32 v30, v9;
	v11 =	vadd.f32 v36, v11  }
0xa3: {  	v38 =	vand.u32 v8, v33;
	v10 =	vadd.f32 v37, v10  }
0xa4: {  	v39 =	vshll.u32 v33, v9;
	v11 =	vadd.f32 v38, v11  }
0xa5: {  	v10 =	vadd.f32 v39, v10  }
0xa6: {  	v12 =	vadd.f32 @p1 v14, v11  }
0xa7: {  	v13 =	vadd.f32 @p1 v13, v10  }
0xa8: {  	[tilespmem:s4+$0x68A0] =	vst @p1 v12  }
0xa9: {  	[tilespmem:s5+$0x68A0] =	vst @p1 v13  }
0xaa: {  	[tilespmem:s4+$0x68A0] =	vst @!p1 v11  }
0xab: {  	[tilespmem:s5+$0x68A0] =	vst @!p1 v10;
	s4 =	sadd.s32 @!p0 $0x580, s21;
	s5 =	simm.s32 @!p0 $0x6580  }
0xac: {  	[tilespmem:s5], [sflag:$0x4] =	stream.indirect.gather @!p0 [hbm4b:s3+s23], $0x1, s4, s23, $0xb8;
	[tilespmem:$0x69A0] =	vst v63  }
0xad: {  	_ =	swait.ge [sflag:s30], $0x80  }
0xae: {  	[sflag:s30] =	ssyncset.done $0x0  }
0xaf: {  	[sflag:s30] =	ssyncadd.s32 $0xFFFFFF80  }
0xb0: {  	v10 =	vld.idx.msk [tilespmem:v0+s18+$0x0], $0xffff  }
0xb1: {  	v11 =	vld.idx.msk [tilespmem:v1+s18+$0x0], $0xffff;
	_ =	sdelay $0x1  }
0xb2: {  	v40 =	vld.idx.msk [tilespmem:v2+s18+$0x0], $0xffff;
	_ =	sdelay $0x1  }
0xb3: {  	v41 =	vld.idx.msk [tilespmem:v3+s18+$0x0], $0xffff  }
0xb4: {  	v42 =	vand.u32 v8, v10;
	v43 =	vand.u32 v8, v11  }
0xb5: {  	v44 =	vld.idx.msk [tilespmem:v4+s18+$0x0], $0xffff;
	v10 =	vshll.u32 v10, v9;
	v11 =	vshll.u32 v11, v9;
	v14 =	vadd.f32 v43, v42  }
0xb6: {  	s9 =	sor.u32 $0x4, s17;
	v10 =	vadd.f32 v11, v10;
	v11 =	vand.u32 v8, v40  }
0xb7: {  	s4 =	sand.u32 $0xFF, s9;
	v45 =	vld.idx.msk [tilespmem:v5+s18+$0x0], $0xffff;
	v12 =	vshll.u32 v40, v9;
	v11 =	vadd.f32 v11, v14  }
0xb8: {  	s4 =	smul.u32 $0x29, s4;
	v46 =	vand.u32 v8, v41;
	v10 =	vadd.f32 v12, v10  }
0xb9: {  	v48 =	vld.idx.msk [tilespmem:v6+s18+$0x0], $0xffff;
	v47 =	vshll.u32 v41, v9;
	v11 =	vadd.f32 v46, v11  }
0xba: {  	s4 =	sshrl.u32 s4, $0xA;
	v49 =	vand.u32 v8, v44;
	v10 =	vadd.f32 v47, v10  }
0xbb: {  	v51 =	vld.idx.msk [tilespmem:v7+s18+$0x0], $0xffff;
	s5 =	smul.u32 $0xFFFFFFE7, s4;
	v50 =	vshll.u32 v44, v9;
	v11 =	vadd.f32 v49, v11  }
0xbc: {  	s9 =	sadd.s32 $0x3, s15;
	v52 =	vand.u32 v8, v45;
	v10 =	vadd.f32 v50, v10  }
0xbd: {  	s4 =	sshll.u32 s4, $0x4;
	p1 =	sne.s32 s9, s5;
	v53 =	vshll.u32 v45, v9;
	v11 =	vadd.f32 v52, v11  }
0xbe: {  	s5 =	sadd.s32 $0x80, s4;
	v54 =	vand.u32 v8, v48;
	v14 =	vld @p1 [tilespmem:s4+$0x68A0];
	v10 =	vadd.f32 v53, v10  }
0xbf: {  	v13 =	vld @p1 [tilespmem:s5+$0x68A0];
	v55 =	vshll.u32 v48, v9;
	v11 =	vadd.f32 v54, v11  }
0xc0: {  	v56 =	vand.u32 v8, v51;
	v10 =	vadd.f32 v55, v10  }
0xc1: {  	v57 =	vshll.u32 v51, v9;
	v11 =	vadd.f32 v56, v11  }
0xc2: {  	v10 =	vadd.f32 v57, v10  }
0xc3: {  	v12 =	vadd.f32 @p1 v14, v11  }
0xc4: {  	v13 =	vadd.f32 @p1 v13, v10  }
0xc5: {  	[tilespmem:s4+$0x68A0] =	vst @p1 v12  }
0xc6: {  	[tilespmem:s5+$0x68A0] =	vst @p1 v13  }
0xc7: {  	[tilespmem:s4+$0x68A0] =	vst @!p1 v11  }
0xc8: {  	[tilespmem:s5+$0x68A0] =	vst @!p1 v10;
	s4 =	sadd.s32 @!p0 $0x600, s21;
	s5 =	simm.s32 @!p0 $0x6600  }
0xc9: {  	[tilespmem:s5], [sflag:$0x5] =	stream.indirect.gather @!p0 [hbm4b:s3+s23], $0x1, s4, s23, $0xb8;
	[tilespmem:$0x69A0] =	vst v63  }
0xca: {  	_ =	swait.ge [sflag:s31], $0x80  }
0xcb: {  	[sflag:s31] =	ssyncset.done $0x0  }
0xcc: {  	[sflag:s31] =	ssyncadd.s32 $0xFFFFFF80  }
0xcd: {  	v10 =	vld.idx.msk [tilespmem:v0+s20+$0x0], $0xffff  }
0xce: {  	v11 =	vld.idx.msk [tilespmem:v1+s20+$0x0], $0xffff;
	_ =	sdelay $0x1  }
0xcf: {  	v58 =	vld.idx.msk [tilespmem:v2+s20+$0x0], $0xffff;
	_ =	sdelay $0x1  }
0xd0: {  	v59 =	vld.idx.msk [tilespmem:v3+s20+$0x0], $0xffff  }
0xd1: {  	v60 =	vand.u32 v8, v10;
	v61 =	vand.u32 v8, v11  }
0xd2: {  	v62 =	vld.idx.msk [tilespmem:v4+s20+$0x0], $0xffff;
	v10 =	vshll.u32 v10, v9;
	v11 =	vshll.u32 v11, v9;
	v14 =	vadd.f32 v61, v60  }
0xd3: {  	s5 =	sor.u32 $0x5, s17;
	v10 =	vadd.f32 v11, v10;
	v11 =	vand.u32 v8, v58  }
0xd4: {  	s4 =	sand.u32 $0xFF, s5;
	v63 =	vld.idx.msk [tilespmem:v5+s20+$0x0], $0xffff;
	v12 =	vshll.u32 v58, v9;
	v11 =	vadd.f32 v11, v14  }
0xd5: {  	s4 =	smul.u32 $0x29, s4;
	v16 =	vand.u32 v8, v59;
	v10 =	vadd.f32 v12, v10  }
0xd6: {  	v18 =	vld.idx.msk [tilespmem:v6+s20+$0x0], $0xffff;
	v17 =	vshll.u32 v59, v9;
	v11 =	vadd.f32 v16, v11  }
0xd7: {  	s4 =	sshrl.u32 s4, $0xA;
	v19 =	vand.u32 v8, v62;
	v10 =	vadd.f32 v17, v10  }
0xd8: {  	v21 =	vld.idx.msk [tilespmem:v7+s20+$0x0], $0xffff;
	s5 =	smul.u32 $0xFFFFFFE7, s4;
	v20 =	vshll.u32 v62, v9;
	v11 =	vadd.f32 v19, v11  }
0xd9: {  	s9 =	sadd.s32 $0x2, s15;
	v22 =	vand.u32 v8, v63;
	v10 =	vadd.f32 v20, v10  }
0xda: {  	s4 =	sshll.u32 s4, $0x4;
	p1 =	sne.s32 s9, s5;
	v23 =	vshll.u32 v63, v9;
	v11 =	vadd.f32 v22, v11  }
0xdb: {  	s5 =	sadd.s32 $0x80, s4;
	v24 =	vand.u32 v8, v18;
	v14 =	vld @p1 [tilespmem:s4+$0x68A0];
	v10 =	vadd.f32 v23, v10  }
0xdc: {  	v13 =	vld @p1 [tilespmem:s5+$0x68A0];
	v25 =	vshll.u32 v18, v9;
	v11 =	vadd.f32 v24, v11  }
0xdd: {  	v26 =	vand.u32 v8, v21;
	v10 =	vadd.f32 v25, v10  }
0xde: {  	v27 =	vshll.u32 v21, v9;
	v11 =	vadd.f32 v26, v11  }
0xdf: {  	v10 =	vadd.f32 v27, v10  }
0xe0: {  	v12 =	vadd.f32 @p1 v14, v11  }
0xe1: {  	v13 =	vadd.f32 @p1 v13, v10  }
0xe2: {  	[tilespmem:s4+$0x68A0] =	vst @p1 v12  }
0xe3: {  	[tilespmem:s5+$0x68A0] =	vst @p1 v13  }
0xe4: {  	[tilespmem:s4+$0x68A0] =	vst @!p1 v11  }
0xe5: {  	[tilespmem:s5+$0x68A0] =	vst @!p1 v10;
	s4 =	sadd.s32 @!p0 $0x680, s21;
	s5 =	simm.s32 @!p0 $0x6680  }
0xe6: {  	[tilespmem:s5], [sflag:$0x6] =	stream.indirect.gather @!p0 [hbm4b:s3+s23], $0x1, s4, s23, $0xb8;
	[tilespmem:$0x69A0] =	vst v63  }
0xe7: {  	_ =	swait.ge [sflag:s1], $0x80  }
0xe8: {  	[sflag:s1] =	ssyncset.done $0x0  }
0xe9: {  	[sflag:s1] =	ssyncadd.s32 $0xFFFFFF80  }
0xea: {  	v10 =	vld.idx.msk [tilespmem:v0+s22+$0x0], $0xffff  }
0xeb: {  	v11 =	vld.idx.msk [tilespmem:v1+s22+$0x0], $0xffff;
	_ =	sdelay $0x1  }
0xec: {  	v28 =	vld.idx.msk [tilespmem:v2+s22+$0x0], $0xffff;
	_ =	sdelay $0x1  }
0xed: {  	v29 =	vld.idx.msk [tilespmem:v3+s22+$0x0], $0xffff  }
0xee: {  	v30 =	vand.u32 v8, v10;
	v31 =	vand.u32 v8, v11  }
0xef: {  	v32 =	vld.idx.msk [tilespmem:v4+s22+$0x0], $0xffff;
	v10 =	vshll.u32 v10, v9;
	v11 =	vshll.u32 v11, v9;
	v14 =	vadd.f32 v31, v30  }
0xf0: {  	s9 =	sor.u32 $0x6, s17;
	v10 =	vadd.f32 v11, v10;
	v11 =	vand.u32 v8, v28  }
0xf1: {  	s4 =	sand.u32 $0xFF, s9;
	v33 =	vld.idx.msk [tilespmem:v5+s22+$0x0], $0xffff;
	v12 =	vshll.u32 v28, v9;
	v11 =	vadd.f32 v11, v14  }
0xf2: {  	s4 =	smul.u32 $0x29, s4;
	v34 =	vand.u32 v8, v29;
	v10 =	vadd.f32 v12, v10  }
0xf3: {  	v36 =	vld.idx.msk [tilespmem:v6+s22+$0x0], $0xffff;
	v35 =	vshll.u32 v29, v9;
	v11 =	vadd.f32 v34, v11  }
0xf4: {  	s4 =	sshrl.u32 s4, $0xA;
	v37 =	vand.u32 v8, v32;
	v10 =	vadd.f32 v35, v10  }
0xf5: {  	v39 =	vld.idx.msk [tilespmem:v7+s22+$0x0], $0xffff;
	s5 =	smul.u32 $0xFFFFFFE7, s4;
	v38 =	vshll.u32 v32, v9;
	v11 =	vadd.f32 v37, v11  }
0xf6: {  	s9 =	sadd.s32 $0x1, s15;
	v40 =	vand.u32 v8, v33;
	v10 =	vadd.f32 v38, v10  }
0xf7: {  	s4 =	sshll.u32 s4, $0x4;
	p1 =	sne.s32 s9, s5;
	v41 =	vshll.u32 v33, v9;
	v11 =	vadd.f32 v40, v11  }
0xf8: {  	s5 =	sadd.s32 $0x80, s4;
	v42 =	vand.u32 v8, v36;
	v14 =	vld @p1 [tilespmem:s4+$0x68A0];
	v10 =	vadd.f32 v41, v10  }
0xf9: {  	v13 =	vld @p1 [tilespmem:s5+$0x68A0];
	v43 =	vshll.u32 v36, v9;
	v11 =	vadd.f32 v42, v11  }
0xfa: {  	v44 =	vand.u32 v8, v39;
	v10 =	vadd.f32 v43, v10  }
0xfb: {  	v45 =	vshll.u32 v39, v9;
	v11 =	vadd.f32 v44, v11  }
0xfc: {  	v10 =	vadd.f32 v45, v10  }
0xfd: {  	v12 =	vadd.f32 @p1 v14, v11  }
0xfe: {  	v13 =	vadd.f32 @p1 v13, v10  }
0xff: {  	[tilespmem:s4+$0x68A0] =	vst @p1 v12  }
0x100: {  	[tilespmem:s5+$0x68A0] =	vst @p1 v13  }
0x101: {  	[tilespmem:s4+$0x68A0] =	vst @!p1 v11  }
0x102: {  	[tilespmem:s5+$0x68A0] =	vst @!p1 v10;
	s4 =	sadd.s32 @!p0 $0x700, s21;
	s5 =	simm.s32 @!p0 $0x6700  }
0x103: {  	[tilespmem:s5], [sflag:$0x7] =	stream.indirect.gather @!p0 [hbm4b:s3+s23], $0x1, s4, s23, $0xb8;
	[tilespmem:$0x69A0] =	vst v63  }
0x104: {  	_ =	swait.ge [sflag:s0], $0x80  }
0x105: {  	[sflag:s0] =	ssyncset.done $0x0  }
0x106: {  	[sflag:s0] =	ssyncadd.s32 $0xFFFFFF80  }
0x107: {  	v10 =	vld.idx.msk [tilespmem:v0+s24+$0x0], $0xffff  }
0x108: {  	v11 =	vld.idx.msk [tilespmem:v1+s24+$0x0], $0xffff;
	_ =	sdelay $0x1  }
0x109: {  	v46 =	vld.idx.msk [tilespmem:v2+s24+$0x0], $0xffff;
	_ =	sdelay $0x1  }
0x10a: {  	v47 =	vld.idx.msk [tilespmem:v3+s24+$0x0], $0xffff  }
0x10b: {  	v48 =	vand.u32 v8, v10;
	v49 =	vand.u32 v8, v11  }
0x10c: {  	v50 =	vld.idx.msk [tilespmem:v4+s24+$0x0], $0xffff;
	v10 =	vshll.u32 v10, v9;
	v11 =	vshll.u32 v11, v9;
	v14 =	vadd.f32 v49, v48  }
0x10d: {  	s21 =	sor.u32 $0x7, s17;
	v10 =	vadd.f32 v11, v10;
	v11 =	vand.u32 v8, v46  }
0x10e: {  	s4 =	sand.u32 $0xFF, s21;
	v51 =	vld.idx.msk [tilespmem:v5+s24+$0x0], $0xffff;
	v12 =	vshll.u32 v46, v9;
	v11 =	vadd.f32 v11, v14  }
0x10f: {  	s4 =	smul.u32 $0x29, s4;
	v52 =	vand.u32 v8, v47;
	v10 =	vadd.f32 v12, v10  }
0x110: {  	v54 =	vld.idx.msk [tilespmem:v6+s24+$0x0], $0xffff;
	v53 =	vshll.u32 v47, v9;
	v11 =	vadd.f32 v52, v11  }
0x111: {  	s4 =	sshrl.u32 s4, $0xA;
	v55 =	vand.u32 v8, v50;
	v10 =	vadd.f32 v53, v10  }
0x112: {  	v57 =	vld.idx.msk [tilespmem:v7+s24+$0x0], $0xffff;
	s23 =	smul.u32 $0xFFFFFFE7, s4;
	v56 =	vshll.u32 v50, v9;
	v11 =	vadd.f32 v55, v11  }
0x113: {  	v58 =	vand.u32 v8, v51;
	v10 =	vadd.f32 v56, v10  }
0x114: {  	s4 =	sshll.u32 s4, $0x4;
	p1 =	sne.s32 s15, s23;
	v59 =	vshll.u32 v51, v9;
	v11 =	vadd.f32 v58, v11  }
0x115: {  	s5 =	sadd.s32 $0x80, s4;
	v60 =	vand.u32 v8, v54;
	v14 =	vld @p1 [tilespmem:s4+$0x68A0];
	v10 =	vadd.f32 v59, v10  }
0x116: {  	v13 =	vld @p1 [tilespmem:s5+$0x68A0];
	v61 =	vshll.u32 v54, v9;
	v11 =	vadd.f32 v60, v11  }
0x117: {  	v62 =	vand.u32 v8, v57;
	v10 =	vadd.f32 v61, v10  }
0x118: {  	v63 =	vshll.u32 v57, v9;
	v11 =	vadd.f32 v62, v11  }
0x119: {  	v10 =	vadd.f32 v63, v10  }
0x11a: {  	v12 =	vadd.f32 @p1 v14, v11  }
.Ltmp2:
0x11b: {  	v13 =	vadd.f32 @p1 v13, v10;
	(pc) =	sbr.rel @p0 .LBB2_4-.Ltmp2, $4  }
0x11c: {  	[tilespmem:s4+$0x68A0] =	vst @p1 v12  }
0x11d: {  	[tilespmem:s5+$0x68A0] =	vst @p1 v13  }
0x11e: {  	[tilespmem:s4+$0x68A0] =	vst @!p1 v11  }
0x11f: {  	[tilespmem:s5+$0x68A0] =	vst @!p1 v10  }
.Ltmp3:
0x120: {  	(pc) =	sbr.rel .LBB2_2-.Ltmp3, $4  }
0x121: {  	_ = 	snop  }
0x122: {  	s4 =	sshra.s32 s19, $0x2;
	s19 =	sadd.s32 $0x1000, s19  }
0x123: {  	s17 =	sadd.s32 $0x8, s17;
	s15 =	sadd.s32 $0xFFFFFFF8, s15;
	s4 =	sadd.s32 $0x780, s4  }
0x124: {  	[tilespmem:s24], [sflag:$0x8] =	stream.indirect.gather [hbm4b:s3+s10], $0x1, s4, s10, $0xb8;
	[tilespmem:$0x69A0] =	vst v63  }
.LBB2_5:
0x125: {  	_ =	sfence.sel $0x180000  }
0x126: {  	[bflag:$0x0] =	sbarrier.arrive $0xFFFF  }
0x127: {  	_ =	strace $0x90000047  }
0x128: {  	s0 =	stileid.u32;
	[bflag:$0x2] =	sbarrier.arrive $0xFFFF  }
0x129: {  	p0 =	sne.s32 s0, $0x0;
	s0 =	rddreg [dreg:$0x2]  }
0x12a: {  	s0 =	sadd.s32 @!p0 $0x100000, s0  }
0x12b: {  	[sflag:s0] =	ssyncadd.tile.s32 @!p0 $0x1;
	_ =	shalt  }
.Lfunc_end2:
_tile_overlayer_lowered:
.L_overlay_start_2:
0x12c: {  	(tag) =	ssettag $0x2  }
0x12d: {  	s0 =	rddreg [dreg:$0x0];
	s2 =	stileid.u32  }
0x12e: {  	s1 =	rddreg [dreg:$0x1];
	p0 =	sne.s32 s2, $0x0  }
0x12f: {  	s3 =	rddreg [dreg:$0x2];
	[bflag:$0x3] =	sbarrier.arrive $0xFFFF;
	s2 =	simm.s32 @!p0 $0x1C09  }
0x130: {  	[timem:s3], [sflag:s2] =	dma.local @!p0 [hbm:s0], s1  }
0x131: {  	s0 =	simm.s32 @!p0 $0x9  }
0x132: {  	_ =	swait.ge @!p0 [sflag:s0], s1  }
0x133: {  	s1 =	ssub.s32 @!p0 $0x0, s1;
	[sflag:s0] =	ssyncset.done @!p0 $0x0  }
0x134: {  	[sflag:s0] =	ssyncadd.s32 @!p0 s1  }
0x135: {  	[bflag:$0x3] =	sbarrier.arrive $0xFFFF  }
0x136: {  	_ =	shalt  }

</sc_bundles>
